<compile_context>
chip_gen: v7x
topology: tpu7x:2x2x1
jax: 0.10.2.dev20260603
libtpu: 0.0.44.dev20260713+nightly
codegen_flags: <defaults>
</compile_context>

<pallas_src>
import functools

import jax
import jax.numpy as jnp
from jax.experimental import pallas as pl
from jax.experimental.pallas import tpu as pltpu
from jax.experimental.pallas import tpu_sc as plsc

NA = 2048
NR = 2048
NDIM = 3
ATOM_NF = 16
RES_NF = 21
JOINT = 16
HID = 64
NL = 4
NBATCH = 32
NORM = 100.0
N = NA + NR
TILE = 128
NT = N // TILE
RT = 32
CT = 48


_SC_NW = 32
_BPW = NA // _SC_NW


def _sc_pick_rows(table, idx):
    mesh = plsc.VectorSubcoreMesh(core_axis_name="c", subcore_axis_name="s")

    @functools.partial(
        pl.kernel, mesh=mesh,
        out_type=jax.ShapeDtypeStruct((NA, 128), jnp.float32),
        scratch_types=[
            pltpu.VMEM((_BPW,), jnp.int32),
            pltpu.VMEM((_BPW, 128), jnp.float32),
            pltpu.SemaphoreType.DMA,
        ],
    )
    def k(table_hbm, idx_hbm, out_hbm, idx_v, rows_v, sem):
        wid = jax.lax.axis_index("s") * 2 + jax.lax.axis_index("c")
        base = wid * _BPW
        pltpu.sync_copy(idx_hbm.at[pl.ds(base, _BPW)], idx_v)
        pltpu.async_copy(table_hbm.at[idx_v], rows_v, sem).wait()
        pltpu.sync_copy(rows_v, out_hbm.at[pl.ds(base, _BPW)])

    return k(table, idx)


def _silu(x):
    return x * jax.nn.sigmoid(x)


def _egnn_kernel(ranges_ref, xa_ref, xr_ref, msort_ref, sperm_ref,
                 aew1, aeb1, aew2, aeb2, rew1, reb1, rew2, reb2,
                 embw, emb_bias, lw, outw, outb,
                 adw1, adb1, adw2, adb2, adw3, adb3,
                 out_ref, hh0_scr, hh_scr, a_scr, b_scr, agg_scr):
    ha = _silu(xa_ref[:, NDIM:] @ aew1[:] + aeb1[:]) @ aew2[:] + aeb2[:]
    hr = _silu(xr_ref[:, NDIM:] @ rew1[:] + reb1[:]) @ rew2[:] + reb2[:]
    hh0_scr[0:NA, :] = (xa_ref[:, :NDIM] @ embw[0:NDIM, :]
                        + ha @ embw[NDIM:NDIM + JOINT, :] + emb_bias[:])
    hh0_scr[NA:N, :] = (xr_ref[:, :NDIM] @ embw[0:NDIM, :]
                        + hr @ embw[NDIM:NDIM + JOINT, :] + emb_bias[:])

    def perm_body(r, _):
        pv = sperm_ref[pl.ds(r * TILE, TILE), :]
        colid = jax.lax.broadcasted_iota(jnp.int32, (TILE, N), 1)
        P = (pv == colid).astype(jnp.float32)
        hh_scr[pl.ds(r * TILE, TILE), :] = jax.lax.dot_general(
            P, hh0_scr[:], (((1,), (0,)), ((), ())),
            preferred_element_type=jnp.float32)
        return 0

    jax.lax.fori_loop(0, NT, perm_body, 0)

    for l in range(NL):
        w1, b1, w2, b2, nw1, nb1, nw2, nb2 = [r[:] for r in lw[l]]
        hh = hh_scr[:]
        a_scr[:] = hh @ w1[:HID, :] + b1
        b_scr[0:N, :] = hh @ w1[HID:, :]
        b_scr[N:N + CT, :] = jnp.zeros((CT, HID), jnp.float32)

        def row_body(r, _, w2=w2, b2=b2):
            a_tile = a_scr[pl.ds(r * RT, RT), :]
            mrow = msort_ref[pl.ds(r * RT, RT), :]
            base = ranges_ref[r, 0]

            def j_body(j, acc, base=base):
                b_tile = b_scr[pl.ds(base + j * CT, CT), :]
                mcol = msort_ref[pl.ds(base + j * CT, CT), :]
                s = _silu(a_tile[:, None, :] + b_tile[None, :, :])
                m = _silu(jax.lax.dot_general(
                    s, w2, (((2,), (0,)), ((), ())),
                    preferred_element_type=jnp.float32) + b2)
                adj = mrow[:, None, :] == mcol[None, :, :]
                return acc + jnp.sum(jnp.where(adj, m, 0.0), axis=1)

            acc = jnp.zeros((RT, HID), jnp.float32)
            acc = jax.lax.fori_loop(0, ranges_ref[r, 1], j_body, acc)
            agg_scr[pl.ds(r * RT, RT), :] = acc
            return 0

        jax.lax.fori_loop(0, N // RT, row_body, 0)

        hh = hh_scr[:]
        upd = _silu(hh @ nw1[:HID, :] + (agg_scr[:] * (1.0 / NORM)) @ nw1[HID:, :]
                    + nb1) @ nw2 + nb2
        hh_scr[:] = hh + upd

    out = hh_scr[:] @ outw[:] + outb[:]
    vel = out[:, :NDIM]
    hf = out[:, NDIM:NDIM + JOINT]
    seg_ids = jax.lax.broadcasted_iota(jnp.int32, (N, NBATCH), 1)
    oh = (msort_ref[0:N, :] == seg_ids).astype(jnp.float32)
    seg = jax.lax.dot_general(oh, vel, (((0,), (0,)), ((), ())),
                              preferred_element_type=jnp.float32)
    cnt = jnp.sum(oh, axis=0, keepdims=True)
    mean = seg / jnp.maximum(cnt.T, 1.0)
    velc = vel - oh @ mean
    d = _silu(hf @ adw1[:] + adb1[:])
    d = _silu(d @ adw2[:] + adb2[:])
    d = d @ adw3[:] + adb3[:]
    final = velc + d
    out_ref[:] = jnp.concatenate(
        [final, jnp.zeros((N, 125), jnp.float32)], axis=1)


def kernel(xh_atoms, xh_residues, t, mask_atoms, mask_residues, params):
    p = params
    ma = mask_atoms.astype(jnp.int32)
    mr = mask_residues.astype(jnp.int32)
    m_full = jnp.concatenate([ma, mr])

    perm = jnp.argsort(m_full, stable=True).astype(jnp.int32)
    inv = jnp.argsort(perm).astype(jnp.int32)
    msort = jnp.sort(m_full)
    apos = inv[:NA]

    mt = msort.reshape(N // RT, RT)
    lo = mt[:, 0]
    hi = mt[:, -1]
    s8 = ((jnp.searchsorted(msort, lo, side='left') // 8) * 8).astype(jnp.int32)
    e = jnp.searchsorted(msort, hi, side='right').astype(jnp.int32)
    nchunk = jnp.maximum(-((-(e - s8)) // CT), 0).astype(jnp.int32)
    ranges = jnp.stack([s8, nchunk], axis=1)

    emb_bias = (p['embb'] + t[0] * p['embw'][NDIM + JOINT])[None, :]

    lw_vals = []
    for l in range(NL):
        lw_vals.append([p[n % l] for n in
                        ('ew1_%d', 'eb1_%d', 'ew2_%d', 'eb2_%d',
                         'nw1_%d', 'nb1_%d', 'nw2_%d', 'nb2_%d')])

    flat_params = ([p['aew1'], p['aeb1'], p['aew2'], p['aeb2'],
                    p['rew1'], p['reb1'], p['rew2'], p['reb2'],
                    p['embw'], emb_bias]
                   + [w for layer in lw_vals for w in layer]
                   + [p['outw'], p['outb'],
                      p['adw1'], p['adb1'], p['adw2'], p['adb2'],
                      p['adw3'], p['adb3']])

    def kern_wrap(ranges_ref, xa_ref, xr_ref, msort_ref, sperm_ref, *rest):
        prm = list(rest[:len(flat_params)])
        out_ref = rest[len(flat_params)]
        scr = rest[len(flat_params) + 1:]
        aew1, aeb1, aew2, aeb2, rew1, reb1, rew2, reb2, embw, emb_b = prm[:10]
        lw = [prm[10 + 8 * l:10 + 8 * (l + 1)] for l in range(NL)]
        outw, outb, adw1, adb1, adw2, adb2, adw3, adb3 = prm[10 + 8 * NL:]
        _egnn_kernel(ranges_ref, xa_ref, xr_ref, msort_ref, sperm_ref,
                     aew1, aeb1, aew2, aeb2, rew1, reb1, rew2, reb2,
                     embw, emb_b, lw, outw, outb,
                     adw1, adb1, adw2, adb2, adw3, adb3,
                     out_ref, *scr)

    n_in = 5 + len(flat_params)
    in_specs = ([pl.BlockSpec(memory_space=pltpu.SMEM)]
                + [pl.BlockSpec(memory_space=pltpu.VMEM)] * (n_in - 1))
    out = pl.pallas_call(
        kern_wrap,
        out_shape=jax.ShapeDtypeStruct((N, 128), jnp.float32),
        in_specs=in_specs,
        out_specs=pl.BlockSpec(memory_space=pltpu.VMEM),
        scratch_shapes=[
            pltpu.VMEM((N, HID), jnp.float32),
            pltpu.VMEM((N, HID), jnp.float32),
            pltpu.VMEM((N, HID), jnp.float32),
            pltpu.VMEM((N + CT, HID), jnp.float32),
            pltpu.VMEM((N, HID), jnp.float32),
        ],
    )(ranges, xh_atoms, xh_residues,
      jnp.concatenate([msort, jnp.full((CT,), -1, jnp.int32)])[:, None],
      perm[:, None], *flat_params)
    return _sc_pick_rows(out, apos)[:, :NDIM]

# --- scband reference (transcript-rebuilt; emitter-appended) ---
"""Pipeline reference for scband-egnndynamics-75144747810823 (READ-ONLY COPY).

The authoritative reference and input builder live on the scoring server;
editing this copy changes nothing except your own understanding.
"""

import jax, jax.numpy as jnp
import numpy as np

NA = 2048
NR = 2048
NDIM = 3
ATOM_NF = 16
RES_NF = 21
JOINT = 16
HID = 64
NL = 4
NBATCH = 32
NORM = 100.0

def _lin(key, fan_in, fan_out):
    k1, k2 = jax.random.split(key)
    w = jax.random.normal(k1, (fan_in, fan_out), jnp.float32) / np.sqrt(fan_in)
    b = jax.random.normal(k2, (fan_out,), jnp.float32) * 0.01
    return w, b

def setup_inputs(seed: int = 0) -> dict:
    key = jax.random.key(seed)
    ks = jax.random.split(key, 64)
    xh_atoms = jax.random.normal(ks[0], (NA, NDIM + ATOM_NF), jnp.float32)
    xh_residues = jax.random.normal(ks[1], (NR, NDIM + RES_NF), jnp.float32)
    t = jax.random.uniform(ks[2], (1,), jnp.float32)
    mask_atoms = jnp.sort(jax.random.randint(ks[3], (NA,), 0, NBATCH))
    mask_residues = jnp.sort(jax.random.randint(ks[4], (NR,), 0, NBATCH))
    p = {}
    p['aew1'], p['aeb1'] = _lin(ks[5], ATOM_NF, 2 * ATOM_NF)
    p['aew2'], p['aeb2'] = _lin(ks[6], 2 * ATOM_NF, JOINT)
    p['rew1'], p['reb1'] = _lin(ks[7], RES_NF, 2 * RES_NF)
    p['rew2'], p['reb2'] = _lin(ks[8], 2 * RES_NF, JOINT)
    p['adw1'], p['adb1'] = _lin(ks[9], JOINT, 2 * ATOM_NF)
    p['adw2'], p['adb2'] = _lin(ks[10], 2 * ATOM_NF, ATOM_NF)
    p['adw3'], p['adb3'] = _lin(ks[11], ATOM_NF, NDIM)
    p['rdw1'], p['rdb1'] = _lin(ks[12], JOINT, 2 * RES_NF)
    p['rdw2'], p['rdb2'] = _lin(ks[13], 2 * RES_NF, RES_NF)
    dyn_nf = JOINT + 1
    p['embw'], p['embb'] = _lin(ks[14], dyn_nf + NDIM, HID)
    for i in range(NL):
        p['ew1_%d' % i], p['eb1_%d' % i] = _lin(ks[15 + 4 * i], 2 * HID, HID)
        p['ew2_%d' % i], p['eb2_%d' % i] = _lin(ks[16 + 4 * i], HID, HID)
        p['nw1_%d' % i], p['nb1_%d' % i] = _lin(ks[17 + 4 * i], 2 * HID, HID)
        p['nw2_%d' % i], p['nb2_%d' % i] = _lin(ks[18 + 4 * i], HID, HID)
    p['outw'], p['outb'] = _lin(ks[15 + 4 * NL], HID, NDIM + dyn_nf)
    return {'xh_atoms': xh_atoms, 'xh_residues': xh_residues, 't': t,
            'mask_atoms': mask_atoms, 'mask_residues': mask_residues, 'params': p}

def _dynamics_forward(xh_atoms, xh_residues, t, adj, mask, p):
    silu = jax.nn.silu
    x_a = xh_atoms[:, :NDIM]
    h_a = xh_atoms[:, NDIM:]
    x_r = xh_residues[:, :NDIM]
    h_r = xh_residues[:, NDIM:]
    # atom / residue encoders
    h_a = silu(h_a @ p['aew1'] + p['aeb1']) @ p['aew2'] + p['aeb2']
    h_r = silu(h_r @ p['rew1'] + p['reb1']) @ p['rew2'] + p['reb2']
    x = jnp.concatenate([x_a, x_r], axis=0)
    h = jnp.concatenate([h_a, h_r], axis=0)
    n = x.shape[0]
    # condition_time: t is a scalar -> filled constant (torch uses t.item(), i.e. detached)
    h_time = jnp.full((n, 1), jax.lax.stop_gradient(t)[0])
    h = jnp.concatenate([h, h_time], axis=1)
    # gnn_dynamics mode: xh = [x, h]; GNN = embedding -> NL x GCL -> embedding_out
    xh = jnp.concatenate([x, h], axis=1)
    hh = xh @ p['embw'] + p['embb']
    n_chunks = n // 128
    chunk = n // n_chunks
    adj_rows = adj.reshape(n_chunks, chunk, n)
    for i in range(NL):
        w1 = p['ew1_%d' % i]
        b1 = p['eb1_%d' % i]
        w2 = p['ew2_%d' % i]
        b2 = p['eb2_%d' % i]
        hh_rows = hh.reshape(n_chunks, chunk, HID)

        def _msg(carry, xs, hh=hh, w1=w1, b1=b1, w2=w2, b2=b2):
            hh_c, adj_c = xs
            src = jnp.broadcast_to(hh_c[:, None, :], (chunk, n, HID))
            tgt = jnp.broadcast_to(hh[None, :, :], (chunk, n, HID))
            e_in = jnp.concatenate([src, tgt], axis=-1)
            mij = silu(silu(e_in @ w1 + b1) @ w2 + b2)
            mij = jnp.where(adj_c[:, :, None], mij, jnp.zeros((), mij.dtype))
            agg_c = jnp.sum(mij, axis=1)
            return carry, agg_c

        _, agg = jax.lax.scan(_msg, None, (hh_rows, adj_rows))
        agg = agg.reshape(n, HID) / NORM
        n_in = jnp.concatenate([hh, agg], axis=1)
        hh = hh + (silu(n_in @ p['nw1_%d' % i] + p['nb1_%d' % i]) @ p['nw2_%d' % i] + p['nb2_%d' % i])
    out = hh @ p['outw'] + p['outb']
    vel = out[:, :NDIM]
    h_final = out[:, NDIM:][:, :-1]  # drop time channel
    hfa = h_final[:NA]
    hfr = h_final[NA:]
    h_final_atoms = silu(silu(hfa @ p['adw1'] + p['adb1']) @ p['adw2'] + p['adb2']) @ p['adw3'] + p['adb3']
    _ = silu(hfr @ p['rdw1'] + p['rdb1']) @ p['rdw2'] + p['rdb2']  # residue decoder (computed but unused, as in torch)
    # remove_mean_batch(vel, mask) -> subtract per-graph mean
    seg = jax.ops.segment_sum(vel, mask, num_segments=NBATCH)
    cnt = jax.ops.segment_sum(jnp.ones((n, 1), vel.dtype), mask, num_segments=NBATCH)
    vel = vel - (seg / jnp.maximum(cnt, 1.0))[mask]
    return vel[:NA] + h_final_atoms

def reference(xh_atoms, xh_residues, t, mask_atoms, mask_residues, params):
    mask = jnp.concatenate([mask_atoms, mask_residues])
    adj = mask[:, None] == mask[None, :]
    return _dynamics_forward(xh_atoms, xh_residues, t, adj, mask, params)

if __name__ == "__main__":
    import jax
    _d = setup_inputs()
    print(jax.jit(kernel)(*tuple(_d.values())))

</pallas_src>

<mosaic_0001>
#map = affine_map<(d0, d1) -> (0, 0)>
#map1 = affine_map<(d0, d1) -> (0)>
module attributes {stable_mosaic.version = 14 : i64} {
  func.func @k(%arg0: i32, %arg1: i32, %arg2: memref<4096x128xf32, #tpu.memory_space<hbm>>, %arg3: memref<2048xi32, #tpu.memory_space<hbm>>, %arg4: memref<2048x128xf32, #tpu.memory_space<hbm>>, %arg5: memref<64xi32, #tpu.memory_space<vmem>>, %arg6: memref<64x128xf32, #tpu.memory_space<vmem>>, %arg7: memref<!tpu.dma_semaphore, #tpu.memory_space<semaphore_mem>>) attributes {dimension_semantics = [#tpu.dimension_semantics<core_parallel>, #tpu.dimension_semantics<subcore_parallel>], iteration_bounds = array<i64: 2, 16>, scalar_prefetch = 0 : i64, scratch_operands = 3 : i64, tpu.core_type = #tpu.core_type<sc_vector_subcore>, window_params = [{transform_indices = #map}, {transform_indices = #map1}, {transform_indices = #map}]} {
    %mul3A = arith.constant 2 : i32
    %mul3A_0 = arith.muli %arg1, %mul3A : i32
    %add3A = arith.addi %mul3A_0, %arg0 : i32
    %mul3A_1 = arith.constant 64 : i32
    %mul3A_2 = arith.muli %add3A, %mul3A_1 : i32
    "tpu.region"() ({
      %run_scoped3A = tpu.sem_alloc : memref<!tpu.dma_semaphore, #tpu.memory_space<semaphore_mem>>
      %dma_start3A_7 = tpu.memref_slice %arg3[%mul3A_2] : memref<2048xi32, #tpu.memory_space<hbm>> -> memref<64xi32, #tpu.memory_space<hbm>>
      %dma_start3A_8 = tpu.memref_slice %arg3[%mul3A_2] : memref<2048xi32, #tpu.memory_space<hbm>> -> memref<64xi32, #tpu.memory_space<hbm>>
      tpu.enqueue_dma source(%dma_start3A_8 : memref<64xi32, #tpu.memory_space<hbm>>) target(%arg5 : memref<64xi32, #tpu.memory_space<vmem>>) target_semaphore(%run_scoped3A : memref<!tpu.dma_semaphore, #tpu.memory_space<semaphore_mem>>)
      %dma_wait3A_9 = tpu.memref_slice %arg3[%mul3A_2] : memref<2048xi32, #tpu.memory_space<hbm>> -> memref<64xi32, #tpu.memory_space<hbm>>
      %dma_wait3A_10 = tpu.memref_slice %arg3[%mul3A_2] : memref<2048xi32, #tpu.memory_space<hbm>> -> memref<64xi32, #tpu.memory_space<hbm>>
      tpu.wait_dma2 semaphore(%run_scoped3A : memref<!tpu.dma_semaphore, #tpu.memory_space<semaphore_mem>>) src(%dma_wait3A_10 : memref<64xi32, #tpu.memory_space<hbm>>) dst(%arg5 : memref<64xi32, #tpu.memory_space<vmem>>)
      tpu.yield
    }) : () -> ()
    %dma_start3A = arith.constant 0 : i32
    %dma_start3A_3 = arith.constant 0 : i32
    %dma_start3A_4 = tpu.memref_slice %arg2[%dma_start3A, %dma_start3A_3] : memref<4096x128xf32, #tpu.memory_space<hbm>> -> memref<4096x128xf32, #tpu.memory_space<hbm>>
    tpu.enqueue_indirect_dma source(%dma_start3A_4 : memref<4096x128xf32, #tpu.memory_space<hbm>>) target(%arg6 : memref<64x128xf32, #tpu.memory_space<vmem>>) offsets(%arg5 : memref<64xi32, #tpu.memory_space<vmem>>) semaphore(%arg7 : memref<!tpu.dma_semaphore, #tpu.memory_space<semaphore_mem>>)
    %dma_wait3A = arith.constant 0 : i32
    %dma_wait3A_5 = arith.constant 0 : i32
    %dma_wait3A_6 = tpu.memref_slice %arg2[%dma_wait3A, %dma_wait3A_5] : memref<4096x128xf32, #tpu.memory_space<hbm>> -> memref<4096x128xf32, #tpu.memory_space<hbm>>
    tpu.wait_indirect_dma semaphore(%arg7 : memref<!tpu.dma_semaphore, #tpu.memory_space<semaphore_mem>>) src(%dma_wait3A_6 : memref<4096x128xf32, #tpu.memory_space<hbm>>) dst(%arg6 : memref<64x128xf32, #tpu.memory_space<vmem>>)
    "tpu.region"() ({
      %run_scoped3A = tpu.sem_alloc : memref<!tpu.dma_semaphore, #tpu.memory_space<semaphore_mem>>
      %dma_start3A_7 = arith.constant 0 : i32
      %dma_start3A_8 = tpu.memref_slice %arg4[%mul3A_2, %dma_start3A_7] : memref<2048x128xf32, #tpu.memory_space<hbm>> -> memref<64x128xf32, #tpu.memory_space<hbm>>
      %dma_start3A_9 = arith.constant 0 : i32
      %dma_start3A_10 = tpu.memref_slice %arg4[%mul3A_2, %dma_start3A_9] : memref<2048x128xf32, #tpu.memory_space<hbm>> -> memref<64x128xf32, #tpu.memory_space<hbm>>
      tpu.enqueue_dma source(%arg6 : memref<64x128xf32, #tpu.memory_space<vmem>>) target(%dma_start3A_10 : memref<64x128xf32, #tpu.memory_space<hbm>>) target_semaphore(%run_scoped3A : memref<!tpu.dma_semaphore, #tpu.memory_space<semaphore_mem>>)
      %dma_wait3A_11 = arith.constant 0 : i32
      %dma_wait3A_12 = tpu.memref_slice %arg4[%mul3A_2, %dma_wait3A_11] : memref<2048x128xf32, #tpu.memory_space<hbm>> -> memref<64x128xf32, #tpu.memory_space<hbm>>
      %dma_wait3A_13 = arith.constant 0 : i32
      %dma_wait3A_14 = tpu.memref_slice %arg4[%mul3A_2, %dma_wait3A_13] : memref<2048x128xf32, #tpu.memory_space<hbm>> -> memref<64x128xf32, #tpu.memory_space<hbm>>
      tpu.wait_dma2 semaphore(%run_scoped3A : memref<!tpu.dma_semaphore, #tpu.memory_space<semaphore_mem>>) src(%arg6 : memref<64x128xf32, #tpu.memory_space<vmem>>) dst(%dma_wait3A_14 : memref<64x128xf32, #tpu.memory_space<hbm>>)
      tpu.yield
    }) : () -> ()
    return
  }
}

module attributes {stable_mosaic.version = 14 : i64} {
  func.func @kern_wrap(%arg0: memref<128x2xi32, #tpu.memory_space<smem>>, %arg1: memref<2048x19xf32, #tpu.memory_space<vmem>>, %arg2: memref<2048x24xf32, #tpu.memory_space<vmem>>, %arg3: memref<4144x1xi32, #tpu.memory_space<vmem>>, %arg4: memref<4096x1xi32, #tpu.memory_space<vmem>>, %arg5: memref<16x32xf32, #tpu.memory_space<vmem>>, %arg6: memref<32xf32, #tpu.memory_space<vmem>>, %arg7: memref<32x16xf32, #tpu.memory_space<vmem>>, %arg8: memref<16xf32, #tpu.memory_space<vmem>>, %arg9: memref<21x42xf32, #tpu.memory_space<vmem>>, %arg10: memref<42xf32, #tpu.memory_space<vmem>>, %arg11: memref<42x16xf32, #tpu.memory_space<vmem>>, %arg12: memref<16xf32, #tpu.memory_space<vmem>>, %arg13: memref<20x64xf32, #tpu.memory_space<vmem>>, %arg14: memref<1x64xf32, #tpu.memory_space<vmem>>, %arg15: memref<128x64xf32, #tpu.memory_space<vmem>>, %arg16: memref<64xf32, #tpu.memory_space<vmem>>, %arg17: memref<64x64xf32, #tpu.memory_space<vmem>>, %arg18: memref<64xf32, #tpu.memory_space<vmem>>, %arg19: memref<128x64xf32, #tpu.memory_space<vmem>>, %arg20: memref<64xf32, #tpu.memory_space<vmem>>, %arg21: memref<64x64xf32, #tpu.memory_space<vmem>>, %arg22: memref<64xf32, #tpu.memory_space<vmem>>, %arg23: memref<128x64xf32, #tpu.memory_space<vmem>>, %arg24: memref<64xf32, #tpu.memory_space<vmem>>, %arg25: memref<64x64xf32, #tpu.memory_space<vmem>>, %arg26: memref<64xf32, #tpu.memory_space<vmem>>, %arg27: memref<128x64xf32, #tpu.memory_space<vmem>>, %arg28: memref<64xf32, #tpu.memory_space<vmem>>, %arg29: memref<64x64xf32, #tpu.memory_space<vmem>>, %arg30: memref<64xf32, #tpu.memory_space<vmem>>, %arg31: memref<128x64xf32, #tpu.memory_space<vmem>>, %arg32: memref<64xf32, #tpu.memory_space<vmem>>, %arg33: memref<64x64xf32, #tpu.memory_space<vmem>>, %arg34: memref<64xf32, #tpu.memory_space<vmem>>, %arg35: memref<128x64xf32, #tpu.memory_space<vmem>>, %arg36: memref<64xf32, #tpu.memory_space<vmem>>, %arg37: memref<64x64xf32, #tpu.memory_space<vmem>>, %arg38: memref<64xf32, #tpu.memory_space<vmem>>, %arg39: memref<128x64xf32, #tpu.memory_space<vmem>>, %arg40: memref<64xf32, #tpu.memory_space<vmem>>, %arg41: memref<64x64xf32, #tpu.memory_space<vmem>>, %arg42: memref<64xf32, #tpu.memory_space<vmem>>, %arg43: memref<128x64xf32, #tpu.memory_space<vmem>>, %arg44: memref<64xf32, #tpu.memory_space<vmem>>, %arg45: memref<64x64xf32, #tpu.memory_space<vmem>>, %arg46: memref<64xf32, #tpu.memory_space<vmem>>, %arg47: memref<64x20xf32, #tpu.memory_space<vmem>>, %arg48: memref<20xf32, #tpu.memory_space<vmem>>, %arg49: memref<16x32xf32, #tpu.memory_space<vmem>>, %arg50: memref<32xf32, #tpu.memory_space<vmem>>, %arg51: memref<32x16xf32, #tpu.memory_space<vmem>>, %arg52: memref<16xf32, #tpu.memory_space<vmem>>, %arg53: memref<16x3xf32, #tpu.memory_space<vmem>>, %arg54: memref<3xf32, #tpu.memory_space<vmem>>, %arg55: memref<4096x128xf32, #tpu.memory_space<vmem>>, %arg56: memref<4096x64xf32, #tpu.memory_space<vmem>>, %arg57: memref<4096x64xf32, #tpu.memory_space<vmem>>, %arg58: memref<4096x64xf32, #tpu.memory_space<vmem>>, %arg59: memref<4144x64xf32, #tpu.memory_space<vmem>>, %arg60: memref<4096x64xf32, #tpu.memory_space<vmem>>) attributes {dimension_semantics = [], scalar_prefetch = 0 : i64, scratch_operands = 5 : i64, tpu.core_type = #tpu.core_type<tc>} {
    %get3A = arith.constant 0 : index
    %get3A_0 = arith.constant 3 : index
    %get3A_1 = vector.load %arg1[%get3A, %get3A_0] : memref<2048x19xf32, #tpu.memory_space<vmem>>, vector<2048x16xf32>
    %get3A_2 = arith.constant 0 : index
    %get3A_3 = arith.constant 0 : index
    %get3A_4 = vector.load %arg5[%get3A_2, %get3A_3] : memref<16x32xf32, #tpu.memory_space<vmem>>, vector<16x32xf32>
    %dot_general3A = arith.constant dense<0.000000e+00> : vector<2048x32xf32>
    %dot_general3A_5 = tpu.matmul %get3A_1, %get3A_4, %dot_general3A {dimension_numbers = #tpu.dot_dimension_numbers<[1], [0], [0], [1], [0, 0, 1, 1], [], []>, transpose_lhs_hint = false} : vector<2048x16xf32>, vector<16x32xf32>, vector<2048x32xf32> -> vector<2048x32xf32>
    %get3A_6 = arith.constant 0 : index
    %get3A_7 = vector.load %arg6[%get3A_6] : memref<32xf32, #tpu.memory_space<vmem>>, vector<32xf32>
    %broadcast_in_dim3A = vector.shape_cast %get3A_7 : vector<32xf32> to vector<1x32xf32>
    %add3A = vector.broadcast %broadcast_in_dim3A : vector<1x32xf32> to vector<2048x32xf32>
    %add3A_8 = arith.addf %dot_general3A_5, %add3A : vector<2048x32xf32>
    %logistic3A = arith.negf %add3A_8 : vector<2048x32xf32>
    %logistic3A_9 = math.exp %logistic3A : vector<2048x32xf32>
    %logistic3A_10 = arith.constant 1.000000e+00 : f32
    %logistic3A_11 = vector.broadcast %logistic3A_10 : f32 to vector<2048x32xf32>
    %logistic3A_12 = arith.addf %logistic3A_11, %logistic3A_9 : vector<2048x32xf32>
    %logistic3A_13 = arith.divf %logistic3A_11, %logistic3A_12 : vector<2048x32xf32>
    %mul3A = arith.mulf %add3A_8, %logistic3A_13 : vector<2048x32xf32>
    %get3A_14 = arith.constant 0 : index
    %get3A_15 = arith.constant 0 : index
    %get3A_16 = vector.load %arg7[%get3A_14, %get3A_15] : memref<32x16xf32, #tpu.memory_space<vmem>>, vector<32x16xf32>
    %dot_general3A_17 = arith.constant dense<0.000000e+00> : vector<2048x16xf32>
    %dot_general3A_18 = tpu.matmul %mul3A, %get3A_16, %dot_general3A_17 {dimension_numbers = #tpu.dot_dimension_numbers<[1], [0], [0], [1], [0, 0, 1, 1], [], []>, transpose_lhs_hint = false} : vector<2048x32xf32>, vector<32x16xf32>, vector<2048x16xf32> -> vector<2048x16xf32>
    %get3A_19 = arith.constant 0 : index
    %get3A_20 = vector.load %arg8[%get3A_19] : memref<16xf32, #tpu.memory_space<vmem>>, vector<16xf32>
    %broadcast_in_dim3A_21 = vector.shape_cast %get3A_20 : vector<16xf32> to vector<1x16xf32>
    %add3A_22 = vector.broadcast %broadcast_in_dim3A_21 : vector<1x16xf32> to vector<2048x16xf32>
    %add3A_23 = arith.addf %dot_general3A_18, %add3A_22 : vector<2048x16xf32>
    %get3A_24 = arith.constant 0 : index
    %get3A_25 = arith.constant 3 : index
    %get3A_26 = vector.load %arg2[%get3A_24, %get3A_25] : memref<2048x24xf32, #tpu.memory_space<vmem>>, vector<2048x21xf32>
    %get3A_27 = arith.constant 0 : index
    %get3A_28 = arith.constant 0 : index
    %get3A_29 = vector.load %arg9[%get3A_27, %get3A_28] : memref<21x42xf32, #tpu.memory_space<vmem>>, vector<21x42xf32>
    %dot_general3A_30 = arith.constant dense<0.000000e+00> : vector<2048x42xf32>
    %dot_general3A_31 = tpu.matmul %get3A_26, %get3A_29, %dot_general3A_30 {dimension_numbers = #tpu.dot_dimension_numbers<[1], [0], [0], [1], [0, 0, 1, 1], [], []>, transpose_lhs_hint = false} : vector<2048x21xf32>, vector<21x42xf32>, vector<2048x42xf32> -> vector<2048x42xf32>
    %get3A_32 = arith.constant 0 : index
    %get3A_33 = vector.load %arg10[%get3A_32] : memref<42xf32, #tpu.memory_space<vmem>>, vector<42xf32>
    %broadcast_in_dim3A_34 = vector.shape_cast %get3A_33 : vector<42xf32> to vector<1x42xf32>
    %add3A_35 = vector.broadcast %broadcast_in_dim3A_34 : vector<1x42xf32> to vector<2048x42xf32>
    %add3A_36 = arith.addf %dot_general3A_31, %add3A_35 : vector<2048x42xf32>
    %logistic3A_37 = arith.negf %add3A_36 : vector<2048x42xf32>
    %logistic3A_38 = math.exp %logistic3A_37 : vector<2048x42xf32>
    %logistic3A_39 = arith.constant 1.000000e+00 : f32
    %logistic3A_40 = vector.broadcast %logistic3A_39 : f32 to vector<2048x42xf32>
    %logistic3A_41 = arith.addf %logistic3A_40, %logistic3A_38 : vector<2048x42xf32>
    %logistic3A_42 = arith.divf %logistic3A_40, %logistic3A_41 : vector<2048x42xf32>
    %mul3A_43 = arith.mulf %add3A_36, %logistic3A_42 : vector<2048x42xf32>
    %get3A_44 = arith.constant 0 : index
    %get3A_45 = arith.constant 0 : index
    %get3A_46 = vector.load %arg11[%get3A_44, %get3A_45] : memref<42x16xf32, #tpu.memory_space<vmem>>, vector<42x16xf32>
    %dot_general3A_47 = arith.constant dense<0.000000e+00> : vector<2048x16xf32>
    %dot_general3A_48 = tpu.matmul %mul3A_43, %get3A_46, %dot_general3A_47 {dimension_numbers = #tpu.dot_dimension_numbers<[1], [0], [0], [1], [0, 0, 1, 1], [], []>, transpose_lhs_hint = false} : vector<2048x42xf32>, vector<42x16xf32>, vector<2048x16xf32> -> vector<2048x16xf32>
    %get3A_49 = arith.constant 0 : index
    %get3A_50 = vector.load %arg12[%get3A_49] : memref<16xf32, #tpu.memory_space<vmem>>, vector<16xf32>
    %broadcast_in_dim3A_51 = vector.shape_cast %get3A_50 : vector<16xf32> to vector<1x16xf32>
    %add3A_52 = vector.broadcast %broadcast_in_dim3A_51 : vector<1x16xf32> to vector<2048x16xf32>
    %add3A_53 = arith.addf %dot_general3A_48, %add3A_52 : vector<2048x16xf32>
    %get3A_54 = arith.constant 0 : index
    %get3A_55 = arith.constant 0 : index
    %get3A_56 = vector.load %arg1[%get3A_54, %get3A_55] : memref<2048x19xf32, #tpu.memory_space<vmem>>, vector<2048x3xf32>
    %get3A_57 = arith.constant 0 : index
    %get3A_58 = arith.constant 0 : index
    %get3A_59 = vector.load %arg13[%get3A_57, %get3A_58] : memref<20x64xf32, #tpu.memory_space<vmem>>, vector<3x64xf32>
    %dot_general3A_60 = arith.constant dense<0.000000e+00> : vector<2048x64xf32>
    %dot_general3A_61 = tpu.matmul %get3A_56, %get3A_59, %dot_general3A_60 {dimension_numbers = #tpu.dot_dimension_numbers<[1], [0], [0], [1], [0, 0, 1, 1], [], []>, transpose_lhs_hint = false} : vector<2048x3xf32>, vector<3x64xf32>, vector<2048x64xf32> -> vector<2048x64xf32>
    %get3A_62 = arith.constant 3 : index
    %get3A_63 = arith.constant 0 : index
    %get3A_64 = vector.load %arg13[%get3A_62, %get3A_63] : memref<20x64xf32, #tpu.memory_space<vmem>>, vector<16x64xf32>
    %dot_general3A_65 = arith.constant dense<0.000000e+00> : vector<2048x64xf32>
    %dot_general3A_66 = tpu.matmul %add3A_23, %get3A_64, %dot_general3A_65 {dimension_numbers = #tpu.dot_dimension_numbers<[1], [0], [0], [1], [0, 0, 1, 1], [], []>, transpose_lhs_hint = false} : vector<2048x16xf32>, vector<16x64xf32>, vector<2048x64xf32> -> vector<2048x64xf32>
    %add3A_67 = arith.addf %dot_general3A_61, %dot_general3A_66 : vector<2048x64xf32>
    %get3A_68 = arith.constant 0 : index
    %get3A_69 = arith.constant 0 : index
    %get3A_70 = vector.load %arg14[%get3A_68, %get3A_69] : memref<1x64xf32, #tpu.memory_space<vmem>>, vector<1x64xf32>
    %add3A_71 = vector.broadcast %get3A_70 : vector<1x64xf32> to vector<2048x64xf32>
    %add3A_72 = arith.addf %add3A_67, %add3A_71 : vector<2048x64xf32>
    %swap3A = arith.constant 0 : index
    %swap3A_73 = arith.constant 0 : index
    %swap3A_74 = vector.load %arg56[%swap3A, %swap3A_73] : memref<4096x64xf32, #tpu.memory_space<vmem>>, vector<2048x64xf32>
    tpu.vector_store %arg56[%swap3A, %swap3A_73], %add3A_72 {strides = array<i32>} : memref<4096x64xf32, #tpu.memory_space<vmem>>, vector<2048x64xf32>,
    %get3A_75 = arith.constant 0 : index
    %get3A_76 = arith.constant 0 : index
    %get3A_77 = vector.load %arg2[%get3A_75, %get3A_76] : memref<2048x24xf32, #tpu.memory_space<vmem>>, vector<2048x3xf32>
    %get3A_78 = arith.constant 0 : index
    %get3A_79 = arith.constant 0 : index
    %get3A_80 = vector.load %arg13[%get3A_78, %get3A_79] : memref<20x64xf32, #tpu.memory_space<vmem>>, vector<3x64xf32>
    %dot_general3A_81 = arith.constant dense<0.000000e+00> : vector<2048x64xf32>
    %dot_general3A_82 = tpu.matmul %get3A_77, %get3A_80, %dot_general3A_81 {dimension_numbers = #tpu.dot_dimension_numbers<[1], [0], [0], [1], [0, 0, 1, 1], [], []>, transpose_lhs_hint = false} : vector<2048x3xf32>, vector<3x64xf32>, vector<2048x64xf32> -> vector<2048x64xf32>
    %get3A_83 = arith.constant 3 : index
    %get3A_84 = arith.constant 0 : index
    %get3A_85 = vector.load %arg13[%get3A_83, %get3A_84] : memref<20x64xf32, #tpu.memory_space<vmem>>, vector<16x64xf32>
    %dot_general3A_86 = arith.constant dense<0.000000e+00> : vector<2048x64xf32>
    %dot_general3A_87 = tpu.matmul %add3A_53, %get3A_85, %dot_general3A_86 {dimension_numbers = #tpu.dot_dimension_numbers<[1], [0], [0], [1], [0, 0, 1, 1], [], []>, transpose_lhs_hint = false} : vector<2048x16xf32>, vector<16x64xf32>, vector<2048x64xf32> -> vector<2048x64xf32>
    %add3A_88 = arith.addf %dot_general3A_82, %dot_general3A_87 : vector<2048x64xf32>
    %get3A_89 = arith.constant 0 : index
    %get3A_90 = arith.constant 0 : index
    %get3A_91 = vector.load %arg14[%get3A_89, %get3A_90] : memref<1x64xf32, #tpu.memory_space<vmem>>, vector<1x64xf32>
    %add3A_92 = vector.broadcast %get3A_91 : vector<1x64xf32> to vector<2048x64xf32>
    %add3A_93 = arith.addf %add3A_88, %add3A_92 : vector<2048x64xf32>
    %swap3A_94 = arith.constant 2048 : index
    %swap3A_95 = arith.constant 0 : index
    %swap3A_96 = vector.load %arg56[%swap3A_94, %swap3A_95] : memref<4096x64xf32, #tpu.memory_space<vmem>>, vector<2048x64xf32>
    tpu.vector_store %arg56[%swap3A_94, %swap3A_95], %add3A_93 {strides = array<i32>} : memref<4096x64xf32, #tpu.memory_space<vmem>>, vector<2048x64xf32>,
    %scan3A = arith.constant 0 : i32
    %scan3A_97 = arith.constant 32 : i32
    %scan3A_98 = arith.addi %scan3A, %scan3A_97 : i32
    %scan3A_99 = arith.constant 1 : i32
    scf.for %scan3A_511 = %scan3A to %scan3A_98 step %scan3A_99  : i32 {
      %mul3A_512 = arith.constant 128 : i32
      %mul3A_513 = arith.muli %scan3A_511, %mul3A_512 : i32
      %get3A_514 = arith.index_cast %mul3A_513 : i32 to index
      %get3A_515 = arith.constant 0 : index
      %get3A_516 = vector.load %arg4[%get3A_514, %get3A_515] : memref<4096x1xi32, #tpu.memory_space<vmem>>, vector<128x1xi32>
      %iota3A_517 = tpu.iota {dimensions = array<i32: 1>} : vector<128x4096xi32>
      %eq3A_518 = vector.broadcast %get3A_516 : vector<128x1xi32> to vector<128x4096xi32>
      %eq3A_519 = arith.cmpi eq, %eq3A_518, %iota3A_517 : vector<128x4096xi32>
      %convert_element_type3A_520 = arith.extui %eq3A_519 : vector<128x4096xi1> to vector<128x4096xi32>
      %convert_element_type3A_521 = arith.sitofp %convert_element_type3A_520 : vector<128x4096xi32> to vector<128x4096xf32>
      %get3A_522 = arith.constant 0 : index
      %get3A_523 = arith.constant 0 : index
      %get3A_524 = vector.load %arg56[%get3A_522, %get3A_523] : memref<4096x64xf32, #tpu.memory_space<vmem>>, vector<4096x64xf32>
      %dot_general3A_525 = arith.constant dense<0.000000e+00> : vector<128x64xf32>
      %dot_general3A_526 = tpu.matmul %convert_element_type3A_521, %get3A_524, %dot_general3A_525 {dimension_numbers = #tpu.dot_dimension_numbers<[1], [0], [0], [1], [0, 0, 1, 1], [], []>, transpose_lhs_hint = false} : vector<128x4096xf32>, vector<4096x64xf32>, vector<128x64xf32> -> vector<128x64xf32>
      %mul3A_527 = arith.constant 128 : i32
      %mul3A_528 = arith.muli %scan3A_511, %mul3A_527 : i32
      %swap3A_529 = arith.index_cast %mul3A_528 : i32 to index
      %swap3A_530 = arith.constant 0 : index
      %swap3A_531 = vector.load %arg57[%swap3A_529, %swap3A_530] : memref<4096x64xf32, #tpu.memory_space<vmem>>, vector<128x64xf32>
      tpu.vector_store %arg57[%swap3A_529, %swap3A_530], %dot_general3A_526 {strides = array<i32>} : memref<4096x64xf32, #tpu.memory_space<vmem>>, vector<128x64xf32>,
    }
    %scan3A_100 = arith.constant 32 : i32
    %get3A_101 = arith.constant 0 : index
    %get3A_102 = arith.constant 0 : index
    %get3A_103 = vector.load %arg15[%get3A_101, %get3A_102] : memref<128x64xf32, #tpu.memory_space<vmem>>, vector<128x64xf32>
    %get3A_104 = arith.constant 0 : index
    %get3A_105 = vector.load %arg16[%get3A_104] : memref<64xf32, #tpu.memory_space<vmem>>, vector<64xf32>
    %get3A_106 = arith.constant 0 : index
    %get3A_107 = arith.constant 0 : index
    %get3A_108 = vector.load %arg17[%get3A_106, %get3A_107] : memref<64x64xf32, #tpu.memory_space<vmem>>, vector<64x64xf32>
    %get3A_109 = arith.constant 0 : index
    %get3A_110 = vector.load %arg18[%get3A_109] : memref<64xf32, #tpu.memory_space<vmem>>, vector<64xf32>
    %get3A_111 = arith.constant 0 : index
    %get3A_112 = arith.constant 0 : index
    %get3A_113 = vector.load %arg19[%get3A_111, %get3A_112] : memref<128x64xf32, #tpu.memory_space<vmem>>, vector<128x64xf32>
    %get3A_114 = arith.constant 0 : index
    %get3A_115 = vector.load %arg20[%get3A_114] : memref<64xf32, #tpu.memory_space<vmem>>, vector<64xf32>
    %get3A_116 = arith.constant 0 : index
    %get3A_117 = arith.constant 0 : index
    %get3A_118 = vector.load %arg21[%get3A_116, %get3A_117] : memref<64x64xf32, #tpu.memory_space<vmem>>, vector<64x64xf32>
    %get3A_119 = arith.constant 0 : index
    %get3A_120 = vector.load %arg22[%get3A_119] : memref<64xf32, #tpu.memory_space<vmem>>, vector<64xf32>
    %get3A_121 = arith.constant 0 : index
    %get3A_122 = arith.constant 0 : index
    %get3A_123 = vector.load %arg57[%get3A_121, %get3A_122] : memref<4096x64xf32, #tpu.memory_space<vmem>>, vector<4096x64xf32>
    %slice3A = vector.extract_strided_slice %get3A_103 {offsets = [0, 0], sizes = [64, 64], strides = [1, 1]} : vector<128x64xf32> to vector<64x64xf32>
    %dot_general3A_124 = arith.constant dense<0.000000e+00> : vector<4096x64xf32>
    %dot_general3A_125 = tpu.matmul %get3A_123, %slice3A, %dot_general3A_124 {dimension_numbers = #tpu.dot_dimension_numbers<[1], [0], [0], [1], [0, 0, 1, 1], [], []>, transpose_lhs_hint = false} : vector<4096x64xf32>, vector<64x64xf32>, vector<4096x64xf32> -> vector<4096x64xf32>
    %broadcast_in_dim3A_126 = vector.shape_cast %get3A_105 : vector<64xf32> to vector<1x64xf32>
    %add3A_127 = vector.broadcast %broadcast_in_dim3A_126 : vector<1x64xf32> to vector<4096x64xf32>
    %add3A_128 = arith.addf %dot_general3A_125, %add3A_127 : vector<4096x64xf32>
    %swap3A_129 = arith.constant 0 : index
    %swap3A_130 = arith.constant 0 : index
    %swap3A_131 = vector.load %arg58[%swap3A_129, %swap3A_130] : memref<4096x64xf32, #tpu.memory_space<vmem>>, vector<4096x64xf32>
    tpu.vector_store %arg58[%swap3A_129, %swap3A_130], %add3A_128 {strides = array<i32>} : memref<4096x64xf32, #tpu.memory_space<vmem>>, vector<4096x64xf32>,
    %slice3A_132 = vector.extract_strided_slice %get3A_103 {offsets = [64, 0], sizes = [64, 64], strides = [1, 1]} : vector<128x64xf32> to vector<64x64xf32>
    %dot_general3A_133 = arith.constant dense<0.000000e+00> : vector<4096x64xf32>
    %dot_general3A_134 = tpu.matmul %get3A_123, %slice3A_132, %dot_general3A_133 {dimension_numbers = #tpu.dot_dimension_numbers<[1], [0], [0], [1], [0, 0, 1, 1], [], []>, transpose_lhs_hint = false} : vector<4096x64xf32>, vector<64x64xf32>, vector<4096x64xf32> -> vector<4096x64xf32>
    %swap3A_135 = arith.constant 0 : index
    %swap3A_136 = arith.constant 0 : index
    %swap3A_137 = vector.load %arg59[%swap3A_135, %swap3A_136] : memref<4144x64xf32, #tpu.memory_space<vmem>>, vector<4096x64xf32>
    tpu.vector_store %arg59[%swap3A_135, %swap3A_136], %dot_general3A_134 {strides = array<i32>} : memref<4144x64xf32, #tpu.memory_space<vmem>>, vector<4096x64xf32>,
    %broadcast_in_dim3A_138 = arith.constant 0.000000e+00 : f32
    %broadcast_in_dim3A_139 = vector.broadcast %broadcast_in_dim3A_138 : f32 to vector<48x64xf32>
    %swap3A_140 = arith.constant 4096 : index
    %swap3A_141 = arith.constant 0 : index
    %swap3A_142 = vector.load %arg59[%swap3A_140, %swap3A_141] : memref<4144x64xf32, #tpu.memory_space<vmem>>, vector<48x64xf32>
    tpu.vector_store %arg59[%swap3A_140, %swap3A_141], %broadcast_in_dim3A_139 {strides = array<i32>} : memref<4144x64xf32, #tpu.memory_space<vmem>>, vector<48x64xf32>,
    %scan3A_143 = arith.constant 0 : i32
    %scan3A_144 = arith.constant 128 : i32
    %scan3A_145 = arith.addi %scan3A_143, %scan3A_144 : i32
    %scan3A_146 = arith.constant 1 : i32
    scf.for %scan3A_511 = %scan3A_143 to %scan3A_145 step %scan3A_146  : i32 {
      %mul3A_512 = arith.constant 32 : i32
      %mul3A_513 = arith.muli %scan3A_511, %mul3A_512 : i32
      %get3A_514 = arith.index_cast %mul3A_513 : i32 to index
      %get3A_515 = arith.constant 0 : index
      %get3A_516 = vector.load %arg58[%get3A_514, %get3A_515] : memref<4096x64xf32, #tpu.memory_space<vmem>>, vector<32x64xf32>
      %mul3A_517 = arith.constant 32 : i32
      %mul3A_518 = arith.muli %scan3A_511, %mul3A_517 : i32
      %get3A_519 = arith.index_cast %mul3A_518 : i32 to index
      %get3A_520 = arith.constant 0 : index
      %get3A_521 = vector.load %arg3[%get3A_519, %get3A_520] : memref<4144x1xi32, #tpu.memory_space<vmem>>, vector<32x1xi32>
      %get3A_522 = arith.index_cast %scan3A_511 : i32 to index
      %get3A_523 = arith.constant 0 : index
      %get3A_524 = memref.load %arg0[%get3A_522, %get3A_523] : memref<128x2xi32, #tpu.memory_space<smem>>
      %broadcast_in_dim3A_525 = arith.constant 0.000000e+00 : f32
      %broadcast_in_dim3A_526 = vector.broadcast %broadcast_in_dim3A_525 : f32 to vector<32x64xf32>
      %get3A_527 = arith.index_cast %scan3A_511 : i32 to index
      %get3A_528 = arith.constant 1 : index
      %get3A_529 = memref.load %arg0[%get3A_527, %get3A_528] : memref<128x2xi32, #tpu.memory_space<smem>>
      %while3A = arith.constant 0 : i32
      %while3A_530 = arith.subi %get3A_529, %while3A : i32
      %while3A_531 = arith.addi %while3A, %while3A_530 : i32
      %while3A_532 = arith.constant 1 : i32
      %while3A_533 = arith.divsi %while3A_530, %while3A_532 : i32
      %while3A_534 = arith.muli %while3A_533, %while3A_532 : i32
      %while3A_535 = arith.addi %while3A, %while3A_534 : i32
      %while3A_536 = arith.constant 1 : i32
      %while3A_537 = scf.for %while3A_545 = %while3A to %while3A_535 step %while3A_536 iter_args(%while3A_546 = %broadcast_in_dim3A_526) -> (vector<32x64xf32>)  : i32 {
        %mul3A_547 = arith.constant 48 : i32
        %mul3A_548 = arith.muli %while3A_545, %mul3A_547 : i32
        %add3A_549 = arith.addi %get3A_524, %mul3A_548 : i32
        %get3A_550 = arith.index_cast %add3A_549 : i32 to index
        %get3A_551 = arith.constant 0 : index
        %get3A_552 = vector.load %arg59[%get3A_550, %get3A_551] : memref<4144x64xf32, #tpu.memory_space<vmem>>, vector<48x64xf32>
        %mul3A_553 = arith.constant 48 : i32
        %mul3A_554 = arith.muli %while3A_545, %mul3A_553 : i32
        %add3A_555 = arith.addi %get3A_524, %mul3A_554 : i32
        %get3A_556 = arith.index_cast %add3A_555 : i32 to index
        %get3A_557 = arith.constant 0 : index
        %get3A_558 = vector.load %arg3[%get3A_556, %get3A_557] : memref<4144x1xi32, #tpu.memory_space<vmem>>, vector<48x1xi32>
        %broadcast_in_dim3A_559 = vector.shape_cast %get3A_516 : vector<32x64xf32> to vector<32x1x64xf32>
        %broadcast_in_dim3A_560 = vector.shape_cast %get3A_552 : vector<48x64xf32> to vector<1x48x64xf32>
        %add3A_561 = vector.broadcast %broadcast_in_dim3A_559 : vector<32x1x64xf32> to vector<32x48x64xf32>
        %add3A_562 = vector.broadcast %broadcast_in_dim3A_560 : vector<1x48x64xf32> to vector<32x48x64xf32>
        %add3A_563 = arith.addf %add3A_561, %add3A_562 : vector<32x48x64xf32>
        %logistic3A_564 = arith.negf %add3A_563 : vector<32x48x64xf32>
        %logistic3A_565 = math.exp %logistic3A_564 : vector<32x48x64xf32>
        %logistic3A_566 = arith.constant 1.000000e+00 : f32
        %logistic3A_567 = vector.broadcast %logistic3A_566 : f32 to vector<32x48x64xf32>
        %logistic3A_568 = arith.addf %logistic3A_567, %logistic3A_565 : vector<32x48x64xf32>
        %logistic3A_569 = arith.divf %logistic3A_567, %logistic3A_568 : vector<32x48x64xf32>
        %mul3A_570 = arith.mulf %add3A_563, %logistic3A_569 : vector<32x48x64xf32>
        %dot_general3A_571 = arith.constant dense<0.000000e+00> : vector<32x48x64xf32>
        %dot_general3A_572 = tpu.matmul %mul3A_570, %get3A_108, %dot_general3A_571 {dimension_numbers = #tpu.dot_dimension_numbers<[2], [0], [0, 1], [1], [0, 0, 0, 1, 1, 1], [], []>, transpose_lhs_hint = false} : vector<32x48x64xf32>, vector<64x64xf32>, vector<32x48x64xf32> -> vector<32x48x64xf32>
        %broadcast_in_dim3A_573 = vector.shape_cast %get3A_110 : vector<64xf32> to vector<1x1x64xf32>
        %add3A_574 = vector.broadcast %broadcast_in_dim3A_573 : vector<1x1x64xf32> to vector<32x48x64xf32>
        %add3A_575 = arith.addf %dot_general3A_572, %add3A_574 : vector<32x48x64xf32>
        %logistic3A_576 = arith.negf %add3A_575 : vector<32x48x64xf32>
        %logistic3A_577 = math.exp %logistic3A_576 : vector<32x48x64xf32>
        %logistic3A_578 = arith.constant 1.000000e+00 : f32
        %logistic3A_579 = vector.broadcast %logistic3A_578 : f32 to vector<32x48x64xf32>
        %logistic3A_580 = arith.addf %logistic3A_579, %logistic3A_577 : vector<32x48x64xf32>
        %logistic3A_581 = arith.divf %logistic3A_579, %logistic3A_580 : vector<32x48x64xf32>
        %mul3A_582 = arith.mulf %add3A_575, %logistic3A_581 : vector<32x48x64xf32>
        %broadcast_in_dim3A_583 = vector.shape_cast %get3A_521 : vector<32x1xi32> to vector<32x1x1xi32>
        %broadcast_in_dim3A_584 = vector.shape_cast %get3A_558 : vector<48x1xi32> to vector<1x48x1xi32>
        %eq3A_585 = vector.broadcast %broadcast_in_dim3A_583 : vector<32x1x1xi32> to vector<32x48x1xi32>
        %eq3A_586 = vector.broadcast %broadcast_in_dim3A_584 : vector<1x48x1xi32> to vector<32x48x1xi32>
        %eq3A_587 = arith.cmpi eq, %eq3A_585, %eq3A_586 : vector<32x48x1xi32>
        %jit3A = arith.constant 0.000000e+00 : f32
        %broadcast_in_dim3A_588 = vector.shape_cast %eq3A_587 : vector<32x48x1xi1> to vector<32x48x1xi1>
        %broadcast_in_dim3A_589 = vector.broadcast %broadcast_in_dim3A_588 : vector<32x48x1xi1> to vector<32x48x64xi1>
        %broadcast_in_dim3A_590 = vector.broadcast %jit3A : f32 to vector<32x48x64xf32>
        %select_n3A = arith.select %broadcast_in_dim3A_589, %mul3A_582, %broadcast_in_dim3A_590 : vector<32x48x64xi1>, vector<32x48x64xf32>
        %reduce_sum3A_591 = arith.constant dense<0.000000e+00> : vector<32x64xf32>
        %reduce_sum3A_592 = vector.multi_reduction <add>, %select_n3A, %reduce_sum3A_591 [1] : vector<32x48x64xf32> to vector<32x64xf32>
        %add3A_593 = arith.addf %while3A_546, %reduce_sum3A_592 : vector<32x64xf32>
        scf.yield %add3A_593 : vector<32x64xf32>
      }
      %while3A_538 = arith.constant 1 : i32
      %while3A_539 = scf.for %while3A_545 = %while3A_535 to %while3A_531 step %while3A_538 iter_args(%while3A_546 = %while3A_537) -> (vector<32x64xf32>)  : i32 {
        %mul3A_547 = arith.constant 48 : i32
        %mul3A_548 = arith.muli %while3A_545, %mul3A_547 : i32
        %add3A_549 = arith.addi %get3A_524, %mul3A_548 : i32
        %get3A_550 = arith.index_cast %add3A_549 : i32 to index
        %get3A_551 = arith.constant 0 : index
        %get3A_552 = vector.load %arg59[%get3A_550, %get3A_551] : memref<4144x64xf32, #tpu.memory_space<vmem>>, vector<48x64xf32>
        %mul3A_553 = arith.constant 48 : i32
        %mul3A_554 = arith.muli %while3A_545, %mul3A_553 : i32
        %add3A_555 = arith.addi %get3A_524, %mul3A_554 : i32
        %get3A_556 = arith.index_cast %add3A_555 : i32 to index
        %get3A_557 = arith.constant 0 : index
        %get3A_558 = vector.load %arg3[%get3A_556, %get3A_557] : memref<4144x1xi32, #tpu.memory_space<vmem>>, vector<48x1xi32>
        %broadcast_in_dim3A_559 = vector.shape_cast %get3A_516 : vector<32x64xf32> to vector<32x1x64xf32>
        %broadcast_in_dim3A_560 = vector.shape_cast %get3A_552 : vector<48x64xf32> to vector<1x48x64xf32>
        %add3A_561 = vector.broadcast %broadcast_in_dim3A_559 : vector<32x1x64xf32> to vector<32x48x64xf32>
        %add3A_562 = vector.broadcast %broadcast_in_dim3A_560 : vector<1x48x64xf32> to vector<32x48x64xf32>
        %add3A_563 = arith.addf %add3A_561, %add3A_562 : vector<32x48x64xf32>
        %logistic3A_564 = arith.negf %add3A_563 : vector<32x48x64xf32>
        %logistic3A_565 = math.exp %logistic3A_564 : vector<32x48x64xf32>
        %logistic3A_566 = arith.constant 1.000000e+00 : f32
        %logistic3A_567 = vector.broadcast %logistic3A_566 : f32 to vector<32x48x64xf32>
        %logistic3A_568 = arith.addf %logistic3A_567, %logistic3A_565 : vector<32x48x64xf32>
        %logistic3A_569 = arith.divf %logistic3A_567, %logistic3A_568 : vector<32x48x64xf32>
        %mul3A_570 = arith.mulf %add3A_563, %logistic3A_569 : vector<32x48x64xf32>
        %dot_general3A_571 = arith.constant dense<0.000000e+00> : vector<32x48x64xf32>
        %dot_general3A_572 = tpu.matmul %mul3A_570, %get3A_108, %dot_general3A_571 {dimension_numbers = #tpu.dot_dimension_numbers<[2], [0], [0, 1], [1], [0, 0, 0, 1, 1, 1], [], []>, transpose_lhs_hint = false} : vector<32x48x64xf32>, vector<64x64xf32>, vector<32x48x64xf32> -> vector<32x48x64xf32>
        %broadcast_in_dim3A_573 = vector.shape_cast %get3A_110 : vector<64xf32> to vector<1x1x64xf32>
        %add3A_574 = vector.broadcast %broadcast_in_dim3A_573 : vector<1x1x64xf32> to vector<32x48x64xf32>
        %add3A_575 = arith.addf %dot_general3A_572, %add3A_574 : vector<32x48x64xf32>
        %logistic3A_576 = arith.negf %add3A_575 : vector<32x48x64xf32>
        %logistic3A_577 = math.exp %logistic3A_576 : vector<32x48x64xf32>
        %logistic3A_578 = arith.constant 1.000000e+00 : f32
        %logistic3A_579 = vector.broadcast %logistic3A_578 : f32 to vector<32x48x64xf32>
        %logistic3A_580 = arith.addf %logistic3A_579, %logistic3A_577 : vector<32x48x64xf32>
        %logistic3A_581 = arith.divf %logistic3A_579, %logistic3A_580 : vector<32x48x64xf32>
        %mul3A_582 = arith.mulf %add3A_575, %logistic3A_581 : vector<32x48x64xf32>
        %broadcast_in_dim3A_583 = vector.shape_cast %get3A_521 : vector<32x1xi32> to vector<32x1x1xi32>
        %broadcast_in_dim3A_584 = vector.shape_cast %get3A_558 : vector<48x1xi32> to vector<1x48x1xi32>
        %eq3A_585 = vector.broadcast %broadcast_in_dim3A_583 : vector<32x1x1xi32> to vector<32x48x1xi32>
        %eq3A_586 = vector.broadcast %broadcast_in_dim3A_584 : vector<1x48x1xi32> to vector<32x48x1xi32>
        %eq3A_587 = arith.cmpi eq, %eq3A_585, %eq3A_586 : vector<32x48x1xi32>
        %jit3A = arith.constant 0.000000e+00 : f32
        %broadcast_in_dim3A_588 = vector.shape_cast %eq3A_587 : vector<32x48x1xi1> to vector<32x48x1xi1>
        %broadcast_in_dim3A_589 = vector.broadcast %broadcast_in_dim3A_588 : vector<32x48x1xi1> to vector<32x48x64xi1>
        %broadcast_in_dim3A_590 = vector.broadcast %jit3A : f32 to vector<32x48x64xf32>
        %select_n3A = arith.select %broadcast_in_dim3A_589, %mul3A_582, %broadcast_in_dim3A_590 : vector<32x48x64xi1>, vector<32x48x64xf32>
        %reduce_sum3A_591 = arith.constant dense<0.000000e+00> : vector<32x64xf32>
        %reduce_sum3A_592 = vector.multi_reduction <add>, %select_n3A, %reduce_sum3A_591 [1] : vector<32x48x64xf32> to vector<32x64xf32>
        %add3A_593 = arith.addf %while3A_546, %reduce_sum3A_592 : vector<32x64xf32>
        scf.yield %add3A_593 : vector<32x64xf32>
      }
      %mul3A_540 = arith.constant 32 : i32
      %mul3A_541 = arith.muli %scan3A_511, %mul3A_540 : i32
      %swap3A_542 = arith.index_cast %mul3A_541 : i32 to index
      %swap3A_543 = arith.constant 0 : index
      %swap3A_544 = vector.load %arg60[%swap3A_542, %swap3A_543] : memref<4096x64xf32, #tpu.memory_space<vmem>>, vector<32x64xf32>
      tpu.vector_store %arg60[%swap3A_542, %swap3A_543], %while3A_539 {strides = array<i32>} : memref<4096x64xf32, #tpu.memory_space<vmem>>, vector<32x64xf32>,
    }
    %scan3A_147 = arith.constant 128 : i32
    %get3A_148 = arith.constant 0 : index
    %get3A_149 = arith.constant 0 : index
    %get3A_150 = vector.load %arg57[%get3A_148, %get3A_149] : memref<4096x64xf32, #tpu.memory_space<vmem>>, vector<4096x64xf32>
    %slice3A_151 = vector.extract_strided_slice %get3A_113 {offsets = [0, 0], sizes = [64, 64], strides = [1, 1]} : vector<128x64xf32> to vector<64x64xf32>
    %dot_general3A_152 = arith.constant dense<0.000000e+00> : vector<4096x64xf32>
    %dot_general3A_153 = tpu.matmul %get3A_150, %slice3A_151, %dot_general3A_152 {dimension_numbers = #tpu.dot_dimension_numbers<[1], [0], [0], [1], [0, 0, 1, 1], [], []>, transpose_lhs_hint = false} : vector<4096x64xf32>, vector<64x64xf32>, vector<4096x64xf32> -> vector<4096x64xf32>
    %get3A_154 = arith.constant 0 : index
    %get3A_155 = arith.constant 0 : index
    %get3A_156 = vector.load %arg60[%get3A_154, %get3A_155] : memref<4096x64xf32, #tpu.memory_space<vmem>>, vector<4096x64xf32>
    %mul3A_157 = arith.constant 0.00999999977 : f32
    %mul3A_158 = vector.broadcast %mul3A_157 : f32 to vector<4096x64xf32>
    %mul3A_159 = arith.mulf %get3A_156, %mul3A_158 : vector<4096x64xf32>
    %slice3A_160 = vector.extract_strided_slice %get3A_113 {offsets = [64, 0], sizes = [64, 64], strides = [1, 1]} : vector<128x64xf32> to vector<64x64xf32>
    %dot_general3A_161 = arith.constant dense<0.000000e+00> : vector<4096x64xf32>
    %dot_general3A_162 = tpu.matmul %mul3A_159, %slice3A_160, %dot_general3A_161 {dimension_numbers = #tpu.dot_dimension_numbers<[1], [0], [0], [1], [0, 0, 1, 1], [], []>, transpose_lhs_hint = false} : vector<4096x64xf32>, vector<64x64xf32>, vector<4096x64xf32> -> vector<4096x64xf32>
    %add3A_163 = arith.addf %dot_general3A_153, %dot_general3A_162 : vector<4096x64xf32>
    %broadcast_in_dim3A_164 = vector.shape_cast %get3A_115 : vector<64xf32> to vector<1x64xf32>
    %add3A_165 = vector.broadcast %broadcast_in_dim3A_164 : vector<1x64xf32> to vector<4096x64xf32>
    %add3A_166 = arith.addf %add3A_163, %add3A_165 : vector<4096x64xf32>
    %logistic3A_167 = arith.negf %add3A_166 : vector<4096x64xf32>
    %logistic3A_168 = math.exp %logistic3A_167 : vector<4096x64xf32>
    %logistic3A_169 = arith.constant 1.000000e+00 : f32
    %logistic3A_170 = vector.broadcast %logistic3A_169 : f32 to vector<4096x64xf32>
    %logistic3A_171 = arith.addf %logistic3A_170, %logistic3A_168 : vector<4096x64xf32>
    %logistic3A_172 = arith.divf %logistic3A_170, %logistic3A_171 : vector<4096x64xf32>
    %mul3A_173 = arith.mulf %add3A_166, %logistic3A_172 : vector<4096x64xf32>
    %dot_general3A_174 = arith.constant dense<0.000000e+00> : vector<4096x64xf32>
    %dot_general3A_175 = tpu.matmul %mul3A_173, %get3A_118, %dot_general3A_174 {dimension_numbers = #tpu.dot_dimension_numbers<[1], [0], [0], [1], [0, 0, 1, 1], [], []>, transpose_lhs_hint = false} : vector<4096x64xf32>, vector<64x64xf32>, vector<4096x64xf32> -> vector<4096x64xf32>
    %broadcast_in_dim3A_176 = vector.shape_cast %get3A_120 : vector<64xf32> to vector<1x64xf32>
    %add3A_177 = vector.broadcast %broadcast_in_dim3A_176 : vector<1x64xf32> to vector<4096x64xf32>
    %add3A_178 = arith.addf %dot_general3A_175, %add3A_177 : vector<4096x64xf32>
    %add3A_179 = arith.addf %get3A_150, %add3A_178 : vector<4096x64xf32>
    %swap3A_180 = arith.constant 0 : index
    %swap3A_181 = arith.constant 0 : index
    %swap3A_182 = vector.load %arg57[%swap3A_180, %swap3A_181] : memref<4096x64xf32, #tpu.memory_space<vmem>>, vector<4096x64xf32>
    tpu.vector_store %arg57[%swap3A_180, %swap3A_181], %add3A_179 {strides = array<i32>} : memref<4096x64xf32, #tpu.memory_space<vmem>>, vector<4096x64xf32>,
    %get3A_183 = arith.constant 0 : index
    %get3A_184 = arith.constant 0 : index
    %get3A_185 = vector.load %arg23[%get3A_183, %get3A_184] : memref<128x64xf32, #tpu.memory_space<vmem>>, vector<128x64xf32>
    %get3A_186 = arith.constant 0 : index
    %get3A_187 = vector.load %arg24[%get3A_186] : memref<64xf32, #tpu.memory_space<vmem>>, vector<64xf32>
    %get3A_188 = arith.constant 0 : index
    %get3A_189 = arith.constant 0 : index
    %get3A_190 = vector.load %arg25[%get3A_188, %get3A_189] : memref<64x64xf32, #tpu.memory_space<vmem>>, vector<64x64xf32>
    %get3A_191 = arith.constant 0 : index
    %get3A_192 = vector.load %arg26[%get3A_191] : memref<64xf32, #tpu.memory_space<vmem>>, vector<64xf32>
    %get3A_193 = arith.constant 0 : index
    %get3A_194 = arith.constant 0 : index
    %get3A_195 = vector.load %arg27[%get3A_193, %get3A_194] : memref<128x64xf32, #tpu.memory_space<vmem>>, vector<128x64xf32>
    %get3A_196 = arith.constant 0 : index
    %get3A_197 = vector.load %arg28[%get3A_196] : memref<64xf32, #tpu.memory_space<vmem>>, vector<64xf32>
    %get3A_198 = arith.constant 0 : index
    %get3A_199 = arith.constant 0 : index
    %get3A_200 = vector.load %arg29[%get3A_198, %get3A_199] : memref<64x64xf32, #tpu.memory_space<vmem>>, vector<64x64xf32>
    %get3A_201 = arith.constant 0 : index
    %get3A_202 = vector.load %arg30[%get3A_201] : memref<64xf32, #tpu.memory_space<vmem>>, vector<64xf32>
    %get3A_203 = arith.constant 0 : index
    %get3A_204 = arith.constant 0 : index
    %get3A_205 = vector.load %arg57[%get3A_203, %get3A_204] : memref<4096x64xf32, #tpu.memory_space<vmem>>, vector<4096x64xf32>
    %slice3A_206 = vector.extract_strided_slice %get3A_185 {offsets = [0, 0], sizes = [64, 64], strides = [1, 1]} : vector<128x64xf32> to vector<64x64xf32>
    %dot_general3A_207 = arith.constant dense<0.000000e+00> : vector<4096x64xf32>
    %dot_general3A_208 = tpu.matmul %get3A_205, %slice3A_206, %dot_general3A_207 {dimension_numbers = #tpu.dot_dimension_numbers<[1], [0], [0], [1], [0, 0, 1, 1], [], []>, transpose_lhs_hint = false} : vector<4096x64xf32>, vector<64x64xf32>, vector<4096x64xf32> -> vector<4096x64xf32>
    %broadcast_in_dim3A_209 = vector.shape_cast %get3A_187 : vector<64xf32> to vector<1x64xf32>
    %add3A_210 = vector.broadcast %broadcast_in_dim3A_209 : vector<1x64xf32> to vector<4096x64xf32>
    %add3A_211 = arith.addf %dot_general3A_208, %add3A_210 : vector<4096x64xf32>
    %swap3A_212 = arith.constant 0 : index
    %swap3A_213 = arith.constant 0 : index
    %swap3A_214 = vector.load %arg58[%swap3A_212, %swap3A_213] : memref<4096x64xf32, #tpu.memory_space<vmem>>, vector<4096x64xf32>
    tpu.vector_store %arg58[%swap3A_212, %swap3A_213], %add3A_211 {strides = array<i32>} : memref<4096x64xf32, #tpu.memory_space<vmem>>, vector<4096x64xf32>,
    %slice3A_215 = vector.extract_strided_slice %get3A_185 {offsets = [64, 0], sizes = [64, 64], strides = [1, 1]} : vector<128x64xf32> to vector<64x64xf32>
    %dot_general3A_216 = arith.constant dense<0.000000e+00> : vector<4096x64xf32>
    %dot_general3A_217 = tpu.matmul %get3A_205, %slice3A_215, %dot_general3A_216 {dimension_numbers = #tpu.dot_dimension_numbers<[1], [0], [0], [1], [0, 0, 1, 1], [], []>, transpose_lhs_hint = false} : vector<4096x64xf32>, vector<64x64xf32>, vector<4096x64xf32> -> vector<4096x64xf32>
    %swap3A_218 = arith.constant 0 : index
    %swap3A_219 = arith.constant 0 : index
    %swap3A_220 = vector.load %arg59[%swap3A_218, %swap3A_219] : memref<4144x64xf32, #tpu.memory_space<vmem>>, vector<4096x64xf32>
    tpu.vector_store %arg59[%swap3A_218, %swap3A_219], %dot_general3A_217 {strides = array<i32>} : memref<4144x64xf32, #tpu.memory_space<vmem>>, vector<4096x64xf32>,
    %broadcast_in_dim3A_221 = arith.constant 0.000000e+00 : f32
    %broadcast_in_dim3A_222 = vector.broadcast %broadcast_in_dim3A_221 : f32 to vector<48x64xf32>
    %swap3A_223 = arith.constant 4096 : index
    %swap3A_224 = arith.constant 0 : index
    %swap3A_225 = vector.load %arg59[%swap3A_223, %swap3A_224] : memref<4144x64xf32, #tpu.memory_space<vmem>>, vector<48x64xf32>
    tpu.vector_store %arg59[%swap3A_223, %swap3A_224], %broadcast_in_dim3A_222 {strides = array<i32>} : memref<4144x64xf32, #tpu.memory_space<vmem>>, vector<48x64xf32>,
    %scan3A_226 = arith.constant 0 : i32
    %scan3A_227 = arith.constant 128 : i32
    %scan3A_228 = arith.addi %scan3A_226, %scan3A_227 : i32
    %scan3A_229 = arith.constant 1 : i32
    scf.for %scan3A_511 = %scan3A_226 to %scan3A_228 step %scan3A_229  : i32 {
      %mul3A_512 = arith.constant 32 : i32
      %mul3A_513 = arith.muli %scan3A_511, %mul3A_512 : i32
      %get3A_514 = arith.index_cast %mul3A_513 : i32 to index
      %get3A_515 = arith.constant 0 : index
      %get3A_516 = vector.load %arg58[%get3A_514, %get3A_515] : memref<4096x64xf32, #tpu.memory_space<vmem>>, vector<32x64xf32>
      %mul3A_517 = arith.constant 32 : i32
      %mul3A_518 = arith.muli %scan3A_511, %mul3A_517 : i32
      %get3A_519 = arith.index_cast %mul3A_518 : i32 to index
      %get3A_520 = arith.constant 0 : index
      %get3A_521 = vector.load %arg3[%get3A_519, %get3A_520] : memref<4144x1xi32, #tpu.memory_space<vmem>>, vector<32x1xi32>
      %get3A_522 = arith.index_cast %scan3A_511 : i32 to index
      %get3A_523 = arith.constant 0 : index
      %get3A_524 = memref.load %arg0[%get3A_522, %get3A_523] : memref<128x2xi32, #tpu.memory_space<smem>>
      %broadcast_in_dim3A_525 = arith.constant 0.000000e+00 : f32
      %broadcast_in_dim3A_526 = vector.broadcast %broadcast_in_dim3A_525 : f32 to vector<32x64xf32>
      %get3A_527 = arith.index_cast %scan3A_511 : i32 to index
      %get3A_528 = arith.constant 1 : index
      %get3A_529 = memref.load %arg0[%get3A_527, %get3A_528] : memref<128x2xi32, #tpu.memory_space<smem>>
      %while3A = arith.constant 0 : i32
      %while3A_530 = arith.subi %get3A_529, %while3A : i32
      %while3A_531 = arith.addi %while3A, %while3A_530 : i32
      %while3A_532 = arith.constant 1 : i32
      %while3A_533 = arith.divsi %while3A_530, %while3A_532 : i32
      %while3A_534 = arith.muli %while3A_533, %while3A_532 : i32
      %while3A_535 = arith.addi %while3A, %while3A_534 : i32
      %while3A_536 = arith.constant 1 : i32
      %while3A_537 = scf.for %while3A_545 = %while3A to %while3A_535 step %while3A_536 iter_args(%while3A_546 = %broadcast_in_dim3A_526) -> (vector<32x64xf32>)  : i32 {
        %mul3A_547 = arith.constant 48 : i32
        %mul3A_548 = arith.muli %while3A_545, %mul3A_547 : i32
        %add3A_549 = arith.addi %get3A_524, %mul3A_548 : i32
        %get3A_550 = arith.index_cast %add3A_549 : i32 to index
        %get3A_551 = arith.constant 0 : index
        %get3A_552 = vector.load %arg59[%get3A_550, %get3A_551] : memref<4144x64xf32, #tpu.memory_space<vmem>>, vector<48x64xf32>
        %mul3A_553 = arith.constant 48 : i32
        %mul3A_554 = arith.muli %while3A_545, %mul3A_553 : i32
        %add3A_555 = arith.addi %get3A_524, %mul3A_554 : i32
        %get3A_556 = arith.index_cast %add3A_555 : i32 to index
        %get3A_557 = arith.constant 0 : index
        %get3A_558 = vector.load %arg3[%get3A_556, %get3A_557] : memref<4144x1xi32, #tpu.memory_space<vmem>>, vector<48x1xi32>
        %broadcast_in_dim3A_559 = vector.shape_cast %get3A_516 : vector<32x64xf32> to vector<32x1x64xf32>
        %broadcast_in_dim3A_560 = vector.shape_cast %get3A_552 : vector<48x64xf32> to vector<1x48x64xf32>
        %add3A_561 = vector.broadcast %broadcast_in_dim3A_559 : vector<32x1x64xf32> to vector<32x48x64xf32>
        %add3A_562 = vector.broadcast %broadcast_in_dim3A_560 : vector<1x48x64xf32> to vector<32x48x64xf32>
        %add3A_563 = arith.addf %add3A_561, %add3A_562 : vector<32x48x64xf32>
        %logistic3A_564 = arith.negf %add3A_563 : vector<32x48x64xf32>
        %logistic3A_565 = math.exp %logistic3A_564 : vector<32x48x64xf32>
        %logistic3A_566 = arith.constant 1.000000e+00 : f32
        %logistic3A_567 = vector.broadcast %logistic3A_566 : f32 to vector<32x48x64xf32>
        %logistic3A_568 = arith.addf %logistic3A_567, %logistic3A_565 : vector<32x48x64xf32>
        %logistic3A_569 = arith.divf %logistic3A_567, %logistic3A_568 : vector<32x48x64xf32>
        %mul3A_570 = arith.mulf %add3A_563, %logistic3A_569 : vector<32x48x64xf32>
        %dot_general3A_571 = arith.constant dense<0.000000e+00> : vector<32x48x64xf32>
        %dot_general3A_572 = tpu.matmul %mul3A_570, %get3A_190, %dot_general3A_571 {dimension_numbers = #tpu.dot_dimension_numbers<[2], [0], [0, 1], [1], [0, 0, 0, 1, 1, 1], [], []>, transpose_lhs_hint = false} : vector<32x48x64xf32>, vector<64x64xf32>, vector<32x48x64xf32> -> vector<32x48x64xf32>
        %broadcast_in_dim3A_573 = vector.shape_cast %get3A_192 : vector<64xf32> to vector<1x1x64xf32>
        %add3A_574 = vector.broadcast %broadcast_in_dim3A_573 : vector<1x1x64xf32> to vector<32x48x64xf32>
        %add3A_575 = arith.addf %dot_general3A_572, %add3A_574 : vector<32x48x64xf32>
        %logistic3A_576 = arith.negf %add3A_575 : vector<32x48x64xf32>
        %logistic3A_577 = math.exp %logistic3A_576 : vector<32x48x64xf32>
        %logistic3A_578 = arith.constant 1.000000e+00 : f32
        %logistic3A_579 = vector.broadcast %logistic3A_578 : f32 to vector<32x48x64xf32>
        %logistic3A_580 = arith.addf %logistic3A_579, %logistic3A_577 : vector<32x48x64xf32>
        %logistic3A_581 = arith.divf %logistic3A_579, %logistic3A_580 : vector<32x48x64xf32>
        %mul3A_582 = arith.mulf %add3A_575, %logistic3A_581 : vector<32x48x64xf32>
        %broadcast_in_dim3A_583 = vector.shape_cast %get3A_521 : vector<32x1xi32> to vector<32x1x1xi32>
        %broadcast_in_dim3A_584 = vector.shape_cast %get3A_558 : vector<48x1xi32> to vector<1x48x1xi32>
        %eq3A_585 = vector.broadcast %broadcast_in_dim3A_583 : vector<32x1x1xi32> to vector<32x48x1xi32>
        %eq3A_586 = vector.broadcast %broadcast_in_dim3A_584 : vector<1x48x1xi32> to vector<32x48x1xi32>
        %eq3A_587 = arith.cmpi eq, %eq3A_585, %eq3A_586 : vector<32x48x1xi32>
        %jit3A = arith.constant 0.000000e+00 : f32
        %broadcast_in_dim3A_588 = vector.shape_cast %eq3A_587 : vector<32x48x1xi1> to vector<32x48x1xi1>
        %broadcast_in_dim3A_589 = vector.broadcast %broadcast_in_dim3A_588 : vector<32x48x1xi1> to vector<32x48x64xi1>
        %broadcast_in_dim3A_590 = vector.broadcast %jit3A : f32 to vector<32x48x64xf32>
        %select_n3A = arith.select %broadcast_in_dim3A_589, %mul3A_582, %broadcast_in_dim3A_590 : vector<32x48x64xi1>, vector<32x48x64xf32>
        %reduce_sum3A_591 = arith.constant dense<0.000000e+00> : vector<32x64xf32>
        %reduce_sum3A_592 = vector.multi_reduction <add>, %select_n3A, %reduce_sum3A_591 [1] : vector<32x48x64xf32> to vector<32x64xf32>
        %add3A_593 = arith.addf %while3A_546, %reduce_sum3A_592 : vector<32x64xf32>
        scf.yield %add3A_593 : vector<32x64xf32>
      }
      %while3A_538 = arith.constant 1 : i32
      %while3A_539 = scf.for %while3A_545 = %while3A_535 to %while3A_531 step %while3A_538 iter_args(%while3A_546 = %while3A_537) -> (vector<32x64xf32>)  : i32 {
        %mul3A_547 = arith.constant 48 : i32
        %mul3A_548 = arith.muli %while3A_545, %mul3A_547 : i32
        %add3A_549 = arith.addi %get3A_524, %mul3A_548 : i32
        %get3A_550 = arith.index_cast %add3A_549 : i32 to index
        %get3A_551 = arith.constant 0 : index
        %get3A_552 = vector.load %arg59[%get3A_550, %get3A_551] : memref<4144x64xf32, #tpu.memory_space<vmem>>, vector<48x64xf32>
        %mul3A_553 = arith.constant 48 : i32
        %mul3A_554 = arith.muli %while3A_545, %mul3A_553 : i32
        %add3A_555 = arith.addi %get3A_524, %mul3A_554 : i32
        %get3A_556 = arith.index_cast %add3A_555 : i32 to index
        %get3A_557 = arith.constant 0 : index
        %get3A_558 = vector.load %arg3[%get3A_556, %get3A_557] : memref<4144x1xi32, #tpu.memory_space<vmem>>, vector<48x1xi32>
        %broadcast_in_dim3A_559 = vector.shape_cast %get3A_516 : vector<32x64xf32> to vector<32x1x64xf32>
        %broadcast_in_dim3A_560 = vector.shape_cast %get3A_552 : vector<48x64xf32> to vector<1x48x64xf32>
        %add3A_561 = vector.broadcast %broadcast_in_dim3A_559 : vector<32x1x64xf32> to vector<32x48x64xf32>
        %add3A_562 = vector.broadcast %broadcast_in_dim3A_560 : vector<1x48x64xf32> to vector<32x48x64xf32>
        %add3A_563 = arith.addf %add3A_561, %add3A_562 : vector<32x48x64xf32>
        %logistic3A_564 = arith.negf %add3A_563 : vector<32x48x64xf32>
        %logistic3A_565 = math.exp %logistic3A_564 : vector<32x48x64xf32>
        %logistic3A_566 = arith.constant 1.000000e+00 : f32
        %logistic3A_567 = vector.broadcast %logistic3A_566 : f32 to vector<32x48x64xf32>
        %logistic3A_568 = arith.addf %logistic3A_567, %logistic3A_565 : vector<32x48x64xf32>
        %logistic3A_569 = arith.divf %logistic3A_567, %logistic3A_568 : vector<32x48x64xf32>
        %mul3A_570 = arith.mulf %add3A_563, %logistic3A_569 : vector<32x48x64xf32>
        %dot_general3A_571 = arith.constant dense<0.000000e+00> : vector<32x48x64xf32>
        %dot_general3A_572 = tpu.matmul %mul3A_570, %get3A_190, %dot_general3A_571 {dimension_numbers = #tpu.dot_dimension_numbers<[2], [0], [0, 1], [1], [0, 0, 0, 1, 1, 1], [], []>, transpose_lhs_hint = false} : vector<32x48x64xf32>, vector<64x64xf32>, vector<32x48x64xf32> -> vector<32x48x64xf32>
        %broadcast_in_dim3A_573 = vector.shape_cast %get3A_192 : vector<64xf32> to vector<1x1x64xf32>
        %add3A_574 = vector.broadcast %broadcast_in_dim3A_573 : vector<1x1x64xf32> to vector<32x48x64xf32>
        %add3A_575 = arith.addf %dot_general3A_572, %add3A_574 : vector<32x48x64xf32>
        %logistic3A_576 = arith.negf %add3A_575 : vector<32x48x64xf32>
        %logistic3A_577 = math.exp %logistic3A_576 : vector<32x48x64xf32>
        %logistic3A_578 = arith.constant 1.000000e+00 : f32
        %logistic3A_579 = vector.broadcast %logistic3A_578 : f32 to vector<32x48x64xf32>
        %logistic3A_580 = arith.addf %logistic3A_579, %logistic3A_577 : vector<32x48x64xf32>
        %logistic3A_581 = arith.divf %logistic3A_579, %logistic3A_580 : vector<32x48x64xf32>
        %mul3A_582 = arith.mulf %add3A_575, %logistic3A_581 : vector<32x48x64xf32>
        %broadcast_in_dim3A_583 = vector.shape_cast %get3A_521 : vector<32x1xi32> to vector<32x1x1xi32>
        %broadcast_in_dim3A_584 = vector.shape_cast %get3A_558 : vector<48x1xi32> to vector<1x48x1xi32>
        %eq3A_585 = vector.broadcast %broadcast_in_dim3A_583 : vector<32x1x1xi32> to vector<32x48x1xi32>
        %eq3A_586 = vector.broadcast %broadcast_in_dim3A_584 : vector<1x48x1xi32> to vector<32x48x1xi32>
        %eq3A_587 = arith.cmpi eq, %eq3A_585, %eq3A_586 : vector<32x48x1xi32>
        %jit3A = arith.constant 0.000000e+00 : f32
        %broadcast_in_dim3A_588 = vector.shape_cast %eq3A_587 : vector<32x48x1xi1> to vector<32x48x1xi1>
        %broadcast_in_dim3A_589 = vector.broadcast %broadcast_in_dim3A_588 : vector<32x48x1xi1> to vector<32x48x64xi1>
        %broadcast_in_dim3A_590 = vector.broadcast %jit3A : f32 to vector<32x48x64xf32>
        %select_n3A = arith.select %broadcast_in_dim3A_589, %mul3A_582, %broadcast_in_dim3A_590 : vector<32x48x64xi1>, vector<32x48x64xf32>
        %reduce_sum3A_591 = arith.constant dense<0.000000e+00> : vector<32x64xf32>
        %reduce_sum3A_592 = vector.multi_reduction <add>, %select_n3A, %reduce_sum3A_591 [1] : vector<32x48x64xf32> to vector<32x64xf32>
        %add3A_593 = arith.addf %while3A_546, %reduce_sum3A_592 : vector<32x64xf32>
        scf.yield %add3A_593 : vector<32x64xf32>
      }
      %mul3A_540 = arith.constant 32 : i32
      %mul3A_541 = arith.muli %scan3A_511, %mul3A_540 : i32
      %swap3A_542 = arith.index_cast %mul3A_541 : i32 to index
      %swap3A_543 = arith.constant 0 : index
      %swap3A_544 = vector.load %arg60[%swap3A_542, %swap3A_543] : memref<4096x64xf32, #tpu.memory_space<vmem>>, vector<32x64xf32>
      tpu.vector_store %arg60[%swap3A_542, %swap3A_543], %while3A_539 {strides = array<i32>} : memref<4096x64xf32, #tpu.memory_space<vmem>>, vector<32x64xf32>,
    }
    %scan3A_230 = arith.constant 128 : i32
    %get3A_231 = arith.constant 0 : index
    %get3A_232 = arith.constant 0 : index
    %get3A_233 = vector.load %arg57[%get3A_231, %get3A_232] : memref<4096x64xf32, #tpu.memory_space<vmem>>, vector<4096x64xf32>
    %slice3A_234 = vector.extract_strided_slice %get3A_195 {offsets = [0, 0], sizes = [64, 64], strides = [1, 1]} : vector<128x64xf32> to vector<64x64xf32>
    %dot_general3A_235 = arith.constant dense<0.000000e+00> : vector<4096x64xf32>
    %dot_general3A_236 = tpu.matmul %get3A_233, %slice3A_234, %dot_general3A_235 {dimension_numbers = #tpu.dot_dimension_numbers<[1], [0], [0], [1], [0, 0, 1, 1], [], []>, transpose_lhs_hint = false} : vector<4096x64xf32>, vector<64x64xf32>, vector<4096x64xf32> -> vector<4096x64xf32>
    %get3A_237 = arith.constant 0 : index
    %get3A_238 = arith.constant 0 : index
    %get3A_239 = vector.load %arg60[%get3A_237, %get3A_238] : memref<4096x64xf32, #tpu.memory_space<vmem>>, vector<4096x64xf32>
    %mul3A_240 = arith.constant 0.00999999977 : f32
    %mul3A_241 = vector.broadcast %mul3A_240 : f32 to vector<4096x64xf32>
    %mul3A_242 = arith.mulf %get3A_239, %mul3A_241 : vector<4096x64xf32>
    %slice3A_243 = vector.extract_strided_slice %get3A_195 {offsets = [64, 0], sizes = [64, 64], strides = [1, 1]} : vector<128x64xf32> to vector<64x64xf32>
    %dot_general3A_244 = arith.constant dense<0.000000e+00> : vector<4096x64xf32>
    %dot_general3A_245 = tpu.matmul %mul3A_242, %slice3A_243, %dot_general3A_244 {dimension_numbers = #tpu.dot_dimension_numbers<[1], [0], [0], [1], [0, 0, 1, 1], [], []>, transpose_lhs_hint = false} : vector<4096x64xf32>, vector<64x64xf32>, vector<4096x64xf32> -> vector<4096x64xf32>
    %add3A_246 = arith.addf %dot_general3A_236, %dot_general3A_245 : vector<4096x64xf32>
    %broadcast_in_dim3A_247 = vector.shape_cast %get3A_197 : vector<64xf32> to vector<1x64xf32>
    %add3A_248 = vector.broadcast %broadcast_in_dim3A_247 : vector<1x64xf32> to vector<4096x64xf32>
    %add3A_249 = arith.addf %add3A_246, %add3A_248 : vector<4096x64xf32>
    %logistic3A_250 = arith.negf %add3A_249 : vector<4096x64xf32>
    %logistic3A_251 = math.exp %logistic3A_250 : vector<4096x64xf32>
    %logistic3A_252 = arith.constant 1.000000e+00 : f32
    %logistic3A_253 = vector.broadcast %logistic3A_252 : f32 to vector<4096x64xf32>
    %logistic3A_254 = arith.addf %logistic3A_253, %logistic3A_251 : vector<4096x64xf32>
    %logistic3A_255 = arith.divf %logistic3A_253, %logistic3A_254 : vector<4096x64xf32>
    %mul3A_256 = arith.mulf %add3A_249, %logistic3A_255 : vector<4096x64xf32>
    %dot_general3A_257 = arith.constant dense<0.000000e+00> : vector<4096x64xf32>
    %dot_general3A_258 = tpu.matmul %mul3A_256, %get3A_200, %dot_general3A_257 {dimension_numbers = #tpu.dot_dimension_numbers<[1], [0], [0], [1], [0, 0, 1, 1], [], []>, transpose_lhs_hint = false} : vector<4096x64xf32>, vector<64x64xf32>, vector<4096x64xf32> -> vector<4096x64xf32>
    %broadcast_in_dim3A_259 = vector.shape_cast %get3A_202 : vector<64xf32> to vector<1x64xf32>
    %add3A_260 = vector.broadcast %broadcast_in_dim3A_259 : vector<1x64xf32> to vector<4096x64xf32>
    %add3A_261 = arith.addf %dot_general3A_258, %add3A_260 : vector<4096x64xf32>
    %add3A_262 = arith.addf %get3A_233, %add3A_261 : vector<4096x64xf32>
    %swap3A_263 = arith.constant 0 : index
    %swap3A_264 = arith.constant 0 : index
    %swap3A_265 = vector.load %arg57[%swap3A_263, %swap3A_264] : memref<4096x64xf32, #tpu.memory_space<vmem>>, vector<4096x64xf32>
    tpu.vector_store %arg57[%swap3A_263, %swap3A_264], %add3A_262 {strides = array<i32>} : memref<4096x64xf32, #tpu.memory_space<vmem>>, vector<4096x64xf32>,
    %get3A_266 = arith.constant 0 : index
    %get3A_267 = arith.constant 0 : index
    %get3A_268 = vector.load %arg31[%get3A_266, %get3A_267] : memref<128x64xf32, #tpu.memory_space<vmem>>, vector<128x64xf32>
    %get3A_269 = arith.constant 0 : index
    %get3A_270 = vector.load %arg32[%get3A_269] : memref<64xf32, #tpu.memory_space<vmem>>, vector<64xf32>
    %get3A_271 = arith.constant 0 : index
    %get3A_272 = arith.constant 0 : index
    %get3A_273 = vector.load %arg33[%get3A_271, %get3A_272] : memref<64x64xf32, #tpu.memory_space<vmem>>, vector<64x64xf32>
    %get3A_274 = arith.constant 0 : index
    %get3A_275 = vector.load %arg34[%get3A_274] : memref<64xf32, #tpu.memory_space<vmem>>, vector<64xf32>
    %get3A_276 = arith.constant 0 : index
    %get3A_277 = arith.constant 0 : index
    %get3A_278 = vector.load %arg35[%get3A_276, %get3A_277] : memref<128x64xf32, #tpu.memory_space<vmem>>, vector<128x64xf32>
    %get3A_279 = arith.constant 0 : index
    %get3A_280 = vector.load %arg36[%get3A_279] : memref<64xf32, #tpu.memory_space<vmem>>, vector<64xf32>
    %get3A_281 = arith.constant 0 : index
    %get3A_282 = arith.constant 0 : index
    %get3A_283 = vector.load %arg37[%get3A_281, %get3A_282] : memref<64x64xf32, #tpu.memory_space<vmem>>, vector<64x64xf32>
    %get3A_284 = arith.constant 0 : index
    %get3A_285 = vector.load %arg38[%get3A_284] : memref<64xf32, #tpu.memory_space<vmem>>, vector<64xf32>
    %get3A_286 = arith.constant 0 : index
    %get3A_287 = arith.constant 0 : index
    %get3A_288 = vector.load %arg57[%get3A_286, %get3A_287] : memref<4096x64xf32, #tpu.memory_space<vmem>>, vector<4096x64xf32>
    %slice3A_289 = vector.extract_strided_slice %get3A_268 {offsets = [0, 0], sizes = [64, 64], strides = [1, 1]} : vector<128x64xf32> to vector<64x64xf32>
    %dot_general3A_290 = arith.constant dense<0.000000e+00> : vector<4096x64xf32>
    %dot_general3A_291 = tpu.matmul %get3A_288, %slice3A_289, %dot_general3A_290 {dimension_numbers = #tpu.dot_dimension_numbers<[1], [0], [0], [1], [0, 0, 1, 1], [], []>, transpose_lhs_hint = false} : vector<4096x64xf32>, vector<64x64xf32>, vector<4096x64xf32> -> vector<4096x64xf32>
    %broadcast_in_dim3A_292 = vector.shape_cast %get3A_270 : vector<64xf32> to vector<1x64xf32>
    %add3A_293 = vector.broadcast %broadcast_in_dim3A_292 : vector<1x64xf32> to vector<4096x64xf32>
    %add3A_294 = arith.addf %dot_general3A_291, %add3A_293 : vector<4096x64xf32>
    %swap3A_295 = arith.constant 0 : index
    %swap3A_296 = arith.constant 0 : index
    %swap3A_297 = vector.load %arg58[%swap3A_295, %swap3A_296] : memref<4096x64xf32, #tpu.memory_space<vmem>>, vector<4096x64xf32>
    tpu.vector_store %arg58[%swap3A_295, %swap3A_296], %add3A_294 {strides = array<i32>} : memref<4096x64xf32, #tpu.memory_space<vmem>>, vector<4096x64xf32>,
    %slice3A_298 = vector.extract_strided_slice %get3A_268 {offsets = [64, 0], sizes = [64, 64], strides = [1, 1]} : vector<128x64xf32> to vector<64x64xf32>
    %dot_general3A_299 = arith.constant dense<0.000000e+00> : vector<4096x64xf32>
    %dot_general3A_300 = tpu.matmul %get3A_288, %slice3A_298, %dot_general3A_299 {dimension_numbers = #tpu.dot_dimension_numbers<[1], [0], [0], [1], [0, 0, 1, 1], [], []>, transpose_lhs_hint = false} : vector<4096x64xf32>, vector<64x64xf32>, vector<4096x64xf32> -> vector<4096x64xf32>
    %swap3A_301 = arith.constant 0 : index
    %swap3A_302 = arith.constant 0 : index
    %swap3A_303 = vector.load %arg59[%swap3A_301, %swap3A_302] : memref<4144x64xf32, #tpu.memory_space<vmem>>, vector<4096x64xf32>
    tpu.vector_store %arg59[%swap3A_301, %swap3A_302], %dot_general3A_300 {strides = array<i32>} : memref<4144x64xf32, #tpu.memory_space<vmem>>, vector<4096x64xf32>,
    %broadcast_in_dim3A_304 = arith.constant 0.000000e+00 : f32
    %broadcast_in_dim3A_305 = vector.broadcast %broadcast_in_dim3A_304 : f32 to vector<48x64xf32>
    %swap3A_306 = arith.constant 4096 : index
    %swap3A_307 = arith.constant 0 : index
    %swap3A_308 = vector.load %arg59[%swap3A_306, %swap3A_307] : memref<4144x64xf32, #tpu.memory_space<vmem>>, vector<48x64xf32>
    tpu.vector_store %arg59[%swap3A_306, %swap3A_307], %broadcast_in_dim3A_305 {strides = array<i32>} : memref<4144x64xf32, #tpu.memory_space<vmem>>, vector<48x64xf32>,
    %scan3A_309 = arith.constant 0 : i32
    %scan3A_310 = arith.constant 128 : i32
    %scan3A_311 = arith.addi %scan3A_309, %scan3A_310 : i32
    %scan3A_312 = arith.constant 1 : i32
    scf.for %scan3A_511 = %scan3A_309 to %scan3A_311 step %scan3A_312  : i32 {
      %mul3A_512 = arith.constant 32 : i32
      %mul3A_513 = arith.muli %scan3A_511, %mul3A_512 : i32
      %get3A_514 = arith.index_cast %mul3A_513 : i32 to index
      %get3A_515 = arith.constant 0 : index
      %get3A_516 = vector.load %arg58[%get3A_514, %get3A_515] : memref<4096x64xf32, #tpu.memory_space<vmem>>, vector<32x64xf32>
      %mul3A_517 = arith.constant 32 : i32
      %mul3A_518 = arith.muli %scan3A_511, %mul3A_517 : i32
      %get3A_519 = arith.index_cast %mul3A_518 : i32 to index
      %get3A_520 = arith.constant 0 : index
      %get3A_521 = vector.load %arg3[%get3A_519, %get3A_520] : memref<4144x1xi32, #tpu.memory_space<vmem>>, vector<32x1xi32>
      %get3A_522 = arith.index_cast %scan3A_511 : i32 to index
      %get3A_523 = arith.constant 0 : index
      %get3A_524 = memref.load %arg0[%get3A_522, %get3A_523] : memref<128x2xi32, #tpu.memory_space<smem>>
      %broadcast_in_dim3A_525 = arith.constant 0.000000e+00 : f32
      %broadcast_in_dim3A_526 = vector.broadcast %broadcast_in_dim3A_525 : f32 to vector<32x64xf32>
      %get3A_527 = arith.index_cast %scan3A_511 : i32 to index
      %get3A_528 = arith.constant 1 : index
      %get3A_529 = memref.load %arg0[%get3A_527, %get3A_528] : memref<128x2xi32, #tpu.memory_space<smem>>
      %while3A = arith.constant 0 : i32
      %while3A_530 = arith.subi %get3A_529, %while3A : i32
      %while3A_531 = arith.addi %while3A, %while3A_530 : i32
      %while3A_532 = arith.constant 1 : i32
      %while3A_533 = arith.divsi %while3A_530, %while3A_532 : i32
      %while3A_534 = arith.muli %while3A_533, %while3A_532 : i32
      %while3A_535 = arith.addi %while3A, %while3A_534 : i32
      %while3A_536 = arith.constant 1 : i32
      %while3A_537 = scf.for %while3A_545 = %while3A to %while3A_535 step %while3A_536 iter_args(%while3A_546 = %broadcast_in_dim3A_526) -> (vector<32x64xf32>)  : i32 {
        %mul3A_547 = arith.constant 48 : i32
        %mul3A_548 = arith.muli %while3A_545, %mul3A_547 : i32
        %add3A_549 = arith.addi %get3A_524, %mul3A_548 : i32
        %get3A_550 = arith.index_cast %add3A_549 : i32 to index
        %get3A_551 = arith.constant 0 : index
        %get3A_552 = vector.load %arg59[%get3A_550, %get3A_551] : memref<4144x64xf32, #tpu.memory_space<vmem>>, vector<48x64xf32>
        %mul3A_553 = arith.constant 48 : i32
        %mul3A_554 = arith.muli %while3A_545, %mul3A_553 : i32
        %add3A_555 = arith.addi %get3A_524, %mul3A_554 : i32
        %get3A_556 = arith.index_cast %add3A_555 : i32 to index
        %get3A_557 = arith.constant 0 : index
        %get3A_558 = vector.load %arg3[%get3A_556, %get3A_557] : memref<4144x1xi32, #tpu.memory_space<vmem>>, vector<48x1xi32>
        %broadcast_in_dim3A_559 = vector.shape_cast %get3A_516 : vector<32x64xf32> to vector<32x1x64xf32>
        %broadcast_in_dim3A_560 = vector.shape_cast %get3A_552 : vector<48x64xf32> to vector<1x48x64xf32>
        %add3A_561 = vector.broadcast %broadcast_in_dim3A_559 : vector<32x1x64xf32> to vector<32x48x64xf32>
        %add3A_562 = vector.broadcast %broadcast_in_dim3A_560 : vector<1x48x64xf32> to vector<32x48x64xf32>
        %add3A_563 = arith.addf %add3A_561, %add3A_562 : vector<32x48x64xf32>
        %logistic3A_564 = arith.negf %add3A_563 : vector<32x48x64xf32>
        %logistic3A_565 = math.exp %logistic3A_564 : vector<32x48x64xf32>
        %logistic3A_566 = arith.constant 1.000000e+00 : f32
        %logistic3A_567 = vector.broadcast %logistic3A_566 : f32 to vector<32x48x64xf32>
        %logistic3A_568 = arith.addf %logistic3A_567, %logistic3A_565 : vector<32x48x64xf32>
        %logistic3A_569 = arith.divf %logistic3A_567, %logistic3A_568 : vector<32x48x64xf32>
        %mul3A_570 = arith.mulf %add3A_563, %logistic3A_569 : vector<32x48x64xf32>
        %dot_general3A_571 = arith.constant dense<0.000000e+00> : vector<32x48x64xf32>
        %dot_general3A_572 = tpu.matmul %mul3A_570, %get3A_273, %dot_general3A_571 {dimension_numbers = #tpu.dot_dimension_numbers<[2], [0], [0, 1], [1], [0, 0, 0, 1, 1, 1], [], []>, transpose_lhs_hint = false} : vector<32x48x64xf32>, vector<64x64xf32>, vector<32x48x64xf32> -> vector<32x48x64xf32>
        %broadcast_in_dim3A_573 = vector.shape_cast %get3A_275 : vector<64xf32> to vector<1x1x64xf32>
        %add3A_574 = vector.broadcast %broadcast_in_dim3A_573 : vector<1x1x64xf32> to vector<32x48x64xf32>
        %add3A_575 = arith.addf %dot_general3A_572, %add3A_574 : vector<32x48x64xf32>
        %logistic3A_576 = arith.negf %add3A_575 : vector<32x48x64xf32>
        %logistic3A_577 = math.exp %logistic3A_576 : vector<32x48x64xf32>
        %logistic3A_578 = arith.constant 1.000000e+00 : f32
        %logistic3A_579 = vector.broadcast %logistic3A_578 : f32 to vector<32x48x64xf32>
        %logistic3A_580 = arith.addf %logistic3A_579, %logistic3A_577 : vector<32x48x64xf32>
        %logistic3A_581 = arith.divf %logistic3A_579, %logistic3A_580 : vector<32x48x64xf32>
        %mul3A_582 = arith.mulf %add3A_575, %logistic3A_581 : vector<32x48x64xf32>
        %broadcast_in_dim3A_583 = vector.shape_cast %get3A_521 : vector<32x1xi32> to vector<32x1x1xi32>
        %broadcast_in_dim3A_584 = vector.shape_cast %get3A_558 : vector<48x1xi32> to vector<1x48x1xi32>
        %eq3A_585 = vector.broadcast %broadcast_in_dim3A_583 : vector<32x1x1xi32> to vector<32x48x1xi32>
        %eq3A_586 = vector.broadcast %broadcast_in_dim3A_584 : vector<1x48x1xi32> to vector<32x48x1xi32>
        %eq3A_587 = arith.cmpi eq, %eq3A_585, %eq3A_586 : vector<32x48x1xi32>
        %jit3A = arith.constant 0.000000e+00 : f32
        %broadcast_in_dim3A_588 = vector.shape_cast %eq3A_587 : vector<32x48x1xi1> to vector<32x48x1xi1>
        %broadcast_in_dim3A_589 = vector.broadcast %broadcast_in_dim3A_588 : vector<32x48x1xi1> to vector<32x48x64xi1>
        %broadcast_in_dim3A_590 = vector.broadcast %jit3A : f32 to vector<32x48x64xf32>
        %select_n3A = arith.select %broadcast_in_dim3A_589, %mul3A_582, %broadcast_in_dim3A_590 : vector<32x48x64xi1>, vector<32x48x64xf32>
        %reduce_sum3A_591 = arith.constant dense<0.000000e+00> : vector<32x64xf32>
        %reduce_sum3A_592 = vector.multi_reduction <add>, %select_n3A, %reduce_sum3A_591 [1] : vector<32x48x64xf32> to vector<32x64xf32>
        %add3A_593 = arith.addf %while3A_546, %reduce_sum3A_592 : vector<32x64xf32>
        scf.yield %add3A_593 : vector<32x64xf32>
      }
      %while3A_538 = arith.constant 1 : i32
      %while3A_539 = scf.for %while3A_545 = %while3A_535 to %while3A_531 step %while3A_538 iter_args(%while3A_546 = %while3A_537) -> (vector<32x64xf32>)  : i32 {
        %mul3A_547 = arith.constant 48 : i32
        %mul3A_548 = arith.muli %while3A_545, %mul3A_547 : i32
        %add3A_549 = arith.addi %get3A_524, %mul3A_548 : i32
        %get3A_550 = arith.index_cast %add3A_549 : i32 to index
        %get3A_551 = arith.constant 0 : index
        %get3A_552 = vector.load %arg59[%get3A_550, %get3A_551] : memref<4144x64xf32, #tpu.memory_space<vmem>>, vector<48x64xf32>
        %mul3A_553 = arith.constant 48 : i32
        %mul3A_554 = arith.muli %while3A_545, %mul3A_553 : i32
        %add3A_555 = arith.addi %get3A_524, %mul3A_554 : i32
        %get3A_556 = arith.index_cast %add3A_555 : i32 to index
        %get3A_557 = arith.constant 0 : index
        %get3A_558 = vector.load %arg3[%get3A_556, %get3A_557] : memref<4144x1xi32, #tpu.memory_space<vmem>>, vector<48x1xi32>
        %broadcast_in_dim3A_559 = vector.shape_cast %get3A_516 : vector<32x64xf32> to vector<32x1x64xf32>
        %broadcast_in_dim3A_560 = vector.shape_cast %get3A_552 : vector<48x64xf32> to vector<1x48x64xf32>
        %add3A_561 = vector.broadcast %broadcast_in_dim3A_559 : vector<32x1x64xf32> to vector<32x48x64xf32>
        %add3A_562 = vector.broadcast %broadcast_in_dim3A_560 : vector<1x48x64xf32> to vector<32x48x64xf32>
        %add3A_563 = arith.addf %add3A_561, %add3A_562 : vector<32x48x64xf32>
        %logistic3A_564 = arith.negf %add3A_563 : vector<32x48x64xf32>
        %logistic3A_565 = math.exp %logistic3A_564 : vector<32x48x64xf32>
        %logistic3A_566 = arith.constant 1.000000e+00 : f32
        %logistic3A_567 = vector.broadcast %logistic3A_566 : f32 to vector<32x48x64xf32>
        %logistic3A_568 = arith.addf %logistic3A_567, %logistic3A_565 : vector<32x48x64xf32>
        %logistic3A_569 = arith.divf %logistic3A_567, %logistic3A_568 : vector<32x48x64xf32>
        %mul3A_570 = arith.mulf %add3A_563, %logistic3A_569 : vector<32x48x64xf32>
        %dot_general3A_571 = arith.constant dense<0.000000e+00> : vector<32x48x64xf32>
        %dot_general3A_572 = tpu.matmul %mul3A_570, %get3A_273, %dot_general3A_571 {dimension_numbers = #tpu.dot_dimension_numbers<[2], [0], [0, 1], [1], [0, 0, 0, 1, 1, 1], [], []>, transpose_lhs_hint = false} : vector<32x48x64xf32>, vector<64x64xf32>, vector<32x48x64xf32> -> vector<32x48x64xf32>
        %broadcast_in_dim3A_573 = vector.shape_cast %get3A_275 : vector<64xf32> to vector<1x1x64xf32>
        %add3A_574 = vector.broadcast %broadcast_in_dim3A_573 : vector<1x1x64xf32> to vector<32x48x64xf32>
        %add3A_575 = arith.addf %dot_general3A_572, %add3A_574 : vector<32x48x64xf32>
        %logistic3A_576 = arith.negf %add3A_575 : vector<32x48x64xf32>
        %logistic3A_577 = math.exp %logistic3A_576 : vector<32x48x64xf32>
        %logistic3A_578 = arith.constant 1.000000e+00 : f32
        %logistic3A_579 = vector.broadcast %logistic3A_578 : f32 to vector<32x48x64xf32>
        %logistic3A_580 = arith.addf %logistic3A_579, %logistic3A_577 : vector<32x48x64xf32>
        %logistic3A_581 = arith.divf %logistic3A_579, %logistic3A_580 : vector<32x48x64xf32>
        %mul3A_582 = arith.mulf %add3A_575, %logistic3A_581 : vector<32x48x64xf32>
        %broadcast_in_dim3A_583 = vector.shape_cast %get3A_521 : vector<32x1xi32> to vector<32x1x1xi32>
        %broadcast_in_dim3A_584 = vector.shape_cast %get3A_558 : vector<48x1xi32> to vector<1x48x1xi32>
        %eq3A_585 = vector.broadcast %broadcast_in_dim3A_583 : vector<32x1x1xi32> to vector<32x48x1xi32>
        %eq3A_586 = vector.broadcast %broadcast_in_dim3A_584 : vector<1x48x1xi32> to vector<32x48x1xi32>
        %eq3A_587 = arith.cmpi eq, %eq3A_585, %eq3A_586 : vector<32x48x1xi32>
        %jit3A = arith.constant 0.000000e+00 : f32
        %broadcast_in_dim3A_588 = vector.shape_cast %eq3A_587 : vector<32x48x1xi1> to vector<32x48x1xi1>
        %broadcast_in_dim3A_589 = vector.broadcast %broadcast_in_dim3A_588 : vector<32x48x1xi1> to vector<32x48x64xi1>
        %broadcast_in_dim3A_590 = vector.broadcast %jit3A : f32 to vector<32x48x64xf32>
        %select_n3A = arith.select %broadcast_in_dim3A_589, %mul3A_582, %broadcast_in_dim3A_590 : vector<32x48x64xi1>, vector<32x48x64xf32>
        %reduce_sum3A_591 = arith.constant dense<0.000000e+00> : vector<32x64xf32>
        %reduce_sum3A_592 = vector.multi_reduction <add>, %select_n3A, %reduce_sum3A_591 [1] : vector<32x48x64xf32> to vector<32x64xf32>
        %add3A_593 = arith.addf %while3A_546, %reduce_sum3A_592 : vector<32x64xf32>
        scf.yield %add3A_593 : vector<32x64xf32>
      }
      %mul3A_540 = arith.constant 32 : i32
      %mul3A_541 = arith.muli %scan3A_511, %mul3A_540 : i32
      %swap3A_542 = arith.index_cast %mul3A_541 : i32 to index
      %swap3A_543 = arith.constant 0 : index
      %swap3A_544 = vector.load %arg60[%swap3A_542, %swap3A_543] : memref<4096x64xf32, #tpu.memory_space<vmem>>, vector<32x64xf32>
      tpu.vector_store %arg60[%swap3A_542, %swap3A_543], %while3A_539 {strides = array<i32>} : memref<4096x64xf32, #tpu.memory_space<vmem>>, vector<32x64xf32>,
    }
    %scan3A_313 = arith.constant 128 : i32
    %get3A_314 = arith.constant 0 : index
    %get3A_315 = arith.constant 0 : index
    %get3A_316 = vector.load %arg57[%get3A_314, %get3A_315] : memref<4096x64xf32, #tpu.memory_space<vmem>>, vector<4096x64xf32>
    %slice3A_317 = vector.extract_strided_slice %get3A_278 {offsets = [0, 0], sizes = [64, 64], strides = [1, 1]} : vector<128x64xf32> to vector<64x64xf32>
    %dot_general3A_318 = arith.constant dense<0.000000e+00> : vector<4096x64xf32>
    %dot_general3A_319 = tpu.matmul %get3A_316, %slice3A_317, %dot_general3A_318 {dimension_numbers = #tpu.dot_dimension_numbers<[1], [0], [0], [1], [0, 0, 1, 1], [], []>, transpose_lhs_hint = false} : vector<4096x64xf32>, vector<64x64xf32>, vector<4096x64xf32> -> vector<4096x64xf32>
    %get3A_320 = arith.constant 0 : index
    %get3A_321 = arith.constant 0 : index
    %get3A_322 = vector.load %arg60[%get3A_320, %get3A_321] : memref<4096x64xf32, #tpu.memory_space<vmem>>, vector<4096x64xf32>
    %mul3A_323 = arith.constant 0.00999999977 : f32
    %mul3A_324 = vector.broadcast %mul3A_323 : f32 to vector<4096x64xf32>
    %mul3A_325 = arith.mulf %get3A_322, %mul3A_324 : vector<4096x64xf32>
    %slice3A_326 = vector.extract_strided_slice %get3A_278 {offsets = [64, 0], sizes = [64, 64], strides = [1, 1]} : vector<128x64xf32> to vector<64x64xf32>
    %dot_general3A_327 = arith.constant dense<0.000000e+00> : vector<4096x64xf32>
    %dot_general3A_328 = tpu.matmul %mul3A_325, %slice3A_326, %dot_general3A_327 {dimension_numbers = #tpu.dot_dimension_numbers<[1], [0], [0], [1], [0, 0, 1, 1], [], []>, transpose_lhs_hint = false} : vector<4096x64xf32>, vector<64x64xf32>, vector<4096x64xf32> -> vector<4096x64xf32>
    %add3A_329 = arith.addf %dot_general3A_319, %dot_general3A_328 : vector<4096x64xf32>
    %broadcast_in_dim3A_330 = vector.shape_cast %get3A_280 : vector<64xf32> to vector<1x64xf32>
    %add3A_331 = vector.broadcast %broadcast_in_dim3A_330 : vector<1x64xf32> to vector<4096x64xf32>
    %add3A_332 = arith.addf %add3A_329, %add3A_331 : vector<4096x64xf32>
    %logistic3A_333 = arith.negf %add3A_332 : vector<4096x64xf32>
    %logistic3A_334 = math.exp %logistic3A_333 : vector<4096x64xf32>
    %logistic3A_335 = arith.constant 1.000000e+00 : f32
    %logistic3A_336 = vector.broadcast %logistic3A_335 : f32 to vector<4096x64xf32>
    %logistic3A_337 = arith.addf %logistic3A_336, %logistic3A_334 : vector<4096x64xf32>
    %logistic3A_338 = arith.divf %logistic3A_336, %logistic3A_337 : vector<4096x64xf32>
    %mul3A_339 = arith.mulf %add3A_332, %logistic3A_338 : vector<4096x64xf32>
    %dot_general3A_340 = arith.constant dense<0.000000e+00> : vector<4096x64xf32>
    %dot_general3A_341 = tpu.matmul %mul3A_339, %get3A_283, %dot_general3A_340 {dimension_numbers = #tpu.dot_dimension_numbers<[1], [0], [0], [1], [0, 0, 1, 1], [], []>, transpose_lhs_hint = false} : vector<4096x64xf32>, vector<64x64xf32>, vector<4096x64xf32> -> vector<4096x64xf32>
    %broadcast_in_dim3A_342 = vector.shape_cast %get3A_285 : vector<64xf32> to vector<1x64xf32>
    %add3A_343 = vector.broadcast %broadcast_in_dim3A_342 : vector<1x64xf32> to vector<4096x64xf32>
    %add3A_344 = arith.addf %dot_general3A_341, %add3A_343 : vector<4096x64xf32>
    %add3A_345 = arith.addf %get3A_316, %add3A_344 : vector<4096x64xf32>
    %swap3A_346 = arith.constant 0 : index
    %swap3A_347 = arith.constant 0 : index
    %swap3A_348 = vector.load %arg57[%swap3A_346, %swap3A_347] : memref<4096x64xf32, #tpu.memory_space<vmem>>, vector<4096x64xf32>
    tpu.vector_store %arg57[%swap3A_346, %swap3A_347], %add3A_345 {strides = array<i32>} : memref<4096x64xf32, #tpu.memory_space<vmem>>, vector<4096x64xf32>,
    %get3A_349 = arith.constant 0 : index
    %get3A_350 = arith.constant 0 : index
    %get3A_351 = vector.load %arg39[%get3A_349, %get3A_350] : memref<128x64xf32, #tpu.memory_space<vmem>>, vector<128x64xf32>
    %get3A_352 = arith.constant 0 : index
    %get3A_353 = vector.load %arg40[%get3A_352] : memref<64xf32, #tpu.memory_space<vmem>>, vector<64xf32>
    %get3A_354 = arith.constant 0 : index
    %get3A_355 = arith.constant 0 : index
    %get3A_356 = vector.load %arg41[%get3A_354, %get3A_355] : memref<64x64xf32, #tpu.memory_space<vmem>>, vector<64x64xf32>
    %get3A_357 = arith.constant 0 : index
    %get3A_358 = vector.load %arg42[%get3A_357] : memref<64xf32, #tpu.memory_space<vmem>>, vector<64xf32>
    %get3A_359 = arith.constant 0 : index
    %get3A_360 = arith.constant 0 : index
    %get3A_361 = vector.load %arg43[%get3A_359, %get3A_360] : memref<128x64xf32, #tpu.memory_space<vmem>>, vector<128x64xf32>
    %get3A_362 = arith.constant 0 : index
    %get3A_363 = vector.load %arg44[%get3A_362] : memref<64xf32, #tpu.memory_space<vmem>>, vector<64xf32>
    %get3A_364 = arith.constant 0 : index
    %get3A_365 = arith.constant 0 : index
    %get3A_366 = vector.load %arg45[%get3A_364, %get3A_365] : memref<64x64xf32, #tpu.memory_space<vmem>>, vector<64x64xf32>
    %get3A_367 = arith.constant 0 : index
    %get3A_368 = vector.load %arg46[%get3A_367] : memref<64xf32, #tpu.memory_space<vmem>>, vector<64xf32>
    %get3A_369 = arith.constant 0 : index
    %get3A_370 = arith.constant 0 : index
    %get3A_371 = vector.load %arg57[%get3A_369, %get3A_370] : memref<4096x64xf32, #tpu.memory_space<vmem>>, vector<4096x64xf32>
    %slice3A_372 = vector.extract_strided_slice %get3A_351 {offsets = [0, 0], sizes = [64, 64], strides = [1, 1]} : vector<128x64xf32> to vector<64x64xf32>
    %dot_general3A_373 = arith.constant dense<0.000000e+00> : vector<4096x64xf32>
    %dot_general3A_374 = tpu.matmul %get3A_371, %slice3A_372, %dot_general3A_373 {dimension_numbers = #tpu.dot_dimension_numbers<[1], [0], [0], [1], [0, 0, 1, 1], [], []>, transpose_lhs_hint = false} : vector<4096x64xf32>, vector<64x64xf32>, vector<4096x64xf32> -> vector<4096x64xf32>
    %broadcast_in_dim3A_375 = vector.shape_cast %get3A_353 : vector<64xf32> to vector<1x64xf32>
    %add3A_376 = vector.broadcast %broadcast_in_dim3A_375 : vector<1x64xf32> to vector<4096x64xf32>
    %add3A_377 = arith.addf %dot_general3A_374, %add3A_376 : vector<4096x64xf32>
    %swap3A_378 = arith.constant 0 : index
    %swap3A_379 = arith.constant 0 : index
    %swap3A_380 = vector.load %arg58[%swap3A_378, %swap3A_379] : memref<4096x64xf32, #tpu.memory_space<vmem>>, vector<4096x64xf32>
    tpu.vector_store %arg58[%swap3A_378, %swap3A_379], %add3A_377 {strides = array<i32>} : memref<4096x64xf32, #tpu.memory_space<vmem>>, vector<4096x64xf32>,
    %slice3A_381 = vector.extract_strided_slice %get3A_351 {offsets = [64, 0], sizes = [64, 64], strides = [1, 1]} : vector<128x64xf32> to vector<64x64xf32>
    %dot_general3A_382 = arith.constant dense<0.000000e+00> : vector<4096x64xf32>
    %dot_general3A_383 = tpu.matmul %get3A_371, %slice3A_381, %dot_general3A_382 {dimension_numbers = #tpu.dot_dimension_numbers<[1], [0], [0], [1], [0, 0, 1, 1], [], []>, transpose_lhs_hint = false} : vector<4096x64xf32>, vector<64x64xf32>, vector<4096x64xf32> -> vector<4096x64xf32>
    %swap3A_384 = arith.constant 0 : index
    %swap3A_385 = arith.constant 0 : index
    %swap3A_386 = vector.load %arg59[%swap3A_384, %swap3A_385] : memref<4144x64xf32, #tpu.memory_space<vmem>>, vector<4096x64xf32>
    tpu.vector_store %arg59[%swap3A_384, %swap3A_385], %dot_general3A_383 {strides = array<i32>} : memref<4144x64xf32, #tpu.memory_space<vmem>>, vector<4096x64xf32>,
    %broadcast_in_dim3A_387 = arith.constant 0.000000e+00 : f32
    %broadcast_in_dim3A_388 = vector.broadcast %broadcast_in_dim3A_387 : f32 to vector<48x64xf32>
    %swap3A_389 = arith.constant 4096 : index
    %swap3A_390 = arith.constant 0 : index
    %swap3A_391 = vector.load %arg59[%swap3A_389, %swap3A_390] : memref<4144x64xf32, #tpu.memory_space<vmem>>, vector<48x64xf32>
    tpu.vector_store %arg59[%swap3A_389, %swap3A_390], %broadcast_in_dim3A_388 {strides = array<i32>} : memref<4144x64xf32, #tpu.memory_space<vmem>>, vector<48x64xf32>,
    %scan3A_392 = arith.constant 0 : i32
    %scan3A_393 = arith.constant 128 : i32
    %scan3A_394 = arith.addi %scan3A_392, %scan3A_393 : i32
    %scan3A_395 = arith.constant 1 : i32
    scf.for %scan3A_511 = %scan3A_392 to %scan3A_394 step %scan3A_395  : i32 {
      %mul3A_512 = arith.constant 32 : i32
      %mul3A_513 = arith.muli %scan3A_511, %mul3A_512 : i32
      %get3A_514 = arith.index_cast %mul3A_513 : i32 to index
      %get3A_515 = arith.constant 0 : index
      %get3A_516 = vector.load %arg58[%get3A_514, %get3A_515] : memref<4096x64xf32, #tpu.memory_space<vmem>>, vector<32x64xf32>
      %mul3A_517 = arith.constant 32 : i32
      %mul3A_518 = arith.muli %scan3A_511, %mul3A_517 : i32
      %get3A_519 = arith.index_cast %mul3A_518 : i32 to index
      %get3A_520 = arith.constant 0 : index
      %get3A_521 = vector.load %arg3[%get3A_519, %get3A_520] : memref<4144x1xi32, #tpu.memory_space<vmem>>, vector<32x1xi32>
      %get3A_522 = arith.index_cast %scan3A_511 : i32 to index
      %get3A_523 = arith.constant 0 : index
      %get3A_524 = memref.load %arg0[%get3A_522, %get3A_523] : memref<128x2xi32, #tpu.memory_space<smem>>
      %broadcast_in_dim3A_525 = arith.constant 0.000000e+00 : f32
      %broadcast_in_dim3A_526 = vector.broadcast %broadcast_in_dim3A_525 : f32 to vector<32x64xf32>
      %get3A_527 = arith.index_cast %scan3A_511 : i32 to index
      %get3A_528 = arith.constant 1 : index
      %get3A_529 = memref.load %arg0[%get3A_527, %get3A_528] : memref<128x2xi32, #tpu.memory_space<smem>>
      %while3A = arith.constant 0 : i32
      %while3A_530 = arith.subi %get3A_529, %while3A : i32
      %while3A_531 = arith.addi %while3A, %while3A_530 : i32
      %while3A_532 = arith.constant 1 : i32
      %while3A_533 = arith.divsi %while3A_530, %while3A_532 : i32
      %while3A_534 = arith.muli %while3A_533, %while3A_532 : i32
      %while3A_535 = arith.addi %while3A, %while3A_534 : i32
      %while3A_536 = arith.constant 1 : i32
      %while3A_537 = scf.for %while3A_545 = %while3A to %while3A_535 step %while3A_536 iter_args(%while3A_546 = %broadcast_in_dim3A_526) -> (vector<32x64xf32>)  : i32 {
        %mul3A_547 = arith.constant 48 : i32
        %mul3A_548 = arith.muli %while3A_545, %mul3A_547 : i32
        %add3A_549 = arith.addi %get3A_524, %mul3A_548 : i32
        %get3A_550 = arith.index_cast %add3A_549 : i32 to index
        %get3A_551 = arith.constant 0 : index
        %get3A_552 = vector.load %arg59[%get3A_550, %get3A_551] : memref<4144x64xf32, #tpu.memory_space<vmem>>, vector<48x64xf32>
        %mul3A_553 = arith.constant 48 : i32
        %mul3A_554 = arith.muli %while3A_545, %mul3A_553 : i32
        %add3A_555 = arith.addi %get3A_524, %mul3A_554 : i32
        %get3A_556 = arith.index_cast %add3A_555 : i32 to index
        %get3A_557 = arith.constant 0 : index
        %get3A_558 = vector.load %arg3[%get3A_556, %get3A_557] : memref<4144x1xi32, #tpu.memory_space<vmem>>, vector<48x1xi32>
        %broadcast_in_dim3A_559 = vector.shape_cast %get3A_516 : vector<32x64xf32> to vector<32x1x64xf32>
        %broadcast_in_dim3A_560 = vector.shape_cast %get3A_552 : vector<48x64xf32> to vector<1x48x64xf32>
        %add3A_561 = vector.broadcast %broadcast_in_dim3A_559 : vector<32x1x64xf32> to vector<32x48x64xf32>
        %add3A_562 = vector.broadcast %broadcast_in_dim3A_560 : vector<1x48x64xf32> to vector<32x48x64xf32>
        %add3A_563 = arith.addf %add3A_561, %add3A_562 : vector<32x48x64xf32>
        %logistic3A_564 = arith.negf %add3A_563 : vector<32x48x64xf32>
        %logistic3A_565 = math.exp %logistic3A_564 : vector<32x48x64xf32>
        %logistic3A_566 = arith.constant 1.000000e+00 : f32
        %logistic3A_567 = vector.broadcast %logistic3A_566 : f32 to vector<32x48x64xf32>
        %logistic3A_568 = arith.addf %logistic3A_567, %logistic3A_565 : vector<32x48x64xf32>
        %logistic3A_569 = arith.divf %logistic3A_567, %logistic3A_568 : vector<32x48x64xf32>
        %mul3A_570 = arith.mulf %add3A_563, %logistic3A_569 : vector<32x48x64xf32>
        %dot_general3A_571 = arith.constant dense<0.000000e+00> : vector<32x48x64xf32>
        %dot_general3A_572 = tpu.matmul %mul3A_570, %get3A_356, %dot_general3A_571 {dimension_numbers = #tpu.dot_dimension_numbers<[2], [0], [0, 1], [1], [0, 0, 0, 1, 1, 1], [], []>, transpose_lhs_hint = false} : vector<32x48x64xf32>, vector<64x64xf32>, vector<32x48x64xf32> -> vector<32x48x64xf32>
        %broadcast_in_dim3A_573 = vector.shape_cast %get3A_358 : vector<64xf32> to vector<1x1x64xf32>
        %add3A_574 = vector.broadcast %broadcast_in_dim3A_573 : vector<1x1x64xf32> to vector<32x48x64xf32>
        %add3A_575 = arith.addf %dot_general3A_572, %add3A_574 : vector<32x48x64xf32>
        %logistic3A_576 = arith.negf %add3A_575 : vector<32x48x64xf32>
        %logistic3A_577 = math.exp %logistic3A_576 : vector<32x48x64xf32>
        %logistic3A_578 = arith.constant 1.000000e+00 : f32
        %logistic3A_579 = vector.broadcast %logistic3A_578 : f32 to vector<32x48x64xf32>
        %logistic3A_580 = arith.addf %logistic3A_579, %logistic3A_577 : vector<32x48x64xf32>
        %logistic3A_581 = arith.divf %logistic3A_579, %logistic3A_580 : vector<32x48x64xf32>
        %mul3A_582 = arith.mulf %add3A_575, %logistic3A_581 : vector<32x48x64xf32>
        %broadcast_in_dim3A_583 = vector.shape_cast %get3A_521 : vector<32x1xi32> to vector<32x1x1xi32>
        %broadcast_in_dim3A_584 = vector.shape_cast %get3A_558 : vector<48x1xi32> to vector<1x48x1xi32>
        %eq3A_585 = vector.broadcast %broadcast_in_dim3A_583 : vector<32x1x1xi32> to vector<32x48x1xi32>
        %eq3A_586 = vector.broadcast %broadcast_in_dim3A_584 : vector<1x48x1xi32> to vector<32x48x1xi32>
        %eq3A_587 = arith.cmpi eq, %eq3A_585, %eq3A_586 : vector<32x48x1xi32>
        %jit3A = arith.constant 0.000000e+00 : f32
        %broadcast_in_dim3A_588 = vector.shape_cast %eq3A_587 : vector<32x48x1xi1> to vector<32x48x1xi1>
        %broadcast_in_dim3A_589 = vector.broadcast %broadcast_in_dim3A_588 : vector<32x48x1xi1> to vector<32x48x64xi1>
        %broadcast_in_dim3A_590 = vector.broadcast %jit3A : f32 to vector<32x48x64xf32>
        %select_n3A = arith.select %broadcast_in_dim3A_589, %mul3A_582, %broadcast_in_dim3A_590 : vector<32x48x64xi1>, vector<32x48x64xf32>
        %reduce_sum3A_591 = arith.constant dense<0.000000e+00> : vector<32x64xf32>
        %reduce_sum3A_592 = vector.multi_reduction <add>, %select_n3A, %reduce_sum3A_591 [1] : vector<32x48x64xf32> to vector<32x64xf32>
        %add3A_593 = arith.addf %while3A_546, %reduce_sum3A_592 : vector<32x64xf32>
        scf.yield %add3A_593 : vector<32x64xf32>
      }
      %while3A_538 = arith.constant 1 : i32
      %while3A_539 = scf.for %while3A_545 = %while3A_535 to %while3A_531 step %while3A_538 iter_args(%while3A_546 = %while3A_537) -> (vector<32x64xf32>)  : i32 {
        %mul3A_547 = arith.constant 48 : i32
        %mul3A_548 = arith.muli %while3A_545, %mul3A_547 : i32
        %add3A_549 = arith.addi %get3A_524, %mul3A_548 : i32
        %get3A_550 = arith.index_cast %add3A_549 : i32 to index
        %get3A_551 = arith.constant 0 : index
        %get3A_552 = vector.load %arg59[%get3A_550, %get3A_551] : memref<4144x64xf32, #tpu.memory_space<vmem>>, vector<48x64xf32>
        %mul3A_553 = arith.constant 48 : i32
        %mul3A_554 = arith.muli %while3A_545, %mul3A_553 : i32
        %add3A_555 = arith.addi %get3A_524, %mul3A_554 : i32
        %get3A_556 = arith.index_cast %add3A_555 : i32 to index
        %get3A_557 = arith.constant 0 : index
        %get3A_558 = vector.load %arg3[%get3A_556, %get3A_557] : memref<4144x1xi32, #tpu.memory_space<vmem>>, vector<48x1xi32>
        %broadcast_in_dim3A_559 = vector.shape_cast %get3A_516 : vector<32x64xf32> to vector<32x1x64xf32>
        %broadcast_in_dim3A_560 = vector.shape_cast %get3A_552 : vector<48x64xf32> to vector<1x48x64xf32>
        %add3A_561 = vector.broadcast %broadcast_in_dim3A_559 : vector<32x1x64xf32> to vector<32x48x64xf32>
        %add3A_562 = vector.broadcast %broadcast_in_dim3A_560 : vector<1x48x64xf32> to vector<32x48x64xf32>
        %add3A_563 = arith.addf %add3A_561, %add3A_562 : vector<32x48x64xf32>
        %logistic3A_564 = arith.negf %add3A_563 : vector<32x48x64xf32>
        %logistic3A_565 = math.exp %logistic3A_564 : vector<32x48x64xf32>
        %logistic3A_566 = arith.constant 1.000000e+00 : f32
        %logistic3A_567 = vector.broadcast %logistic3A_566 : f32 to vector<32x48x64xf32>
        %logistic3A_568 = arith.addf %logistic3A_567, %logistic3A_565 : vector<32x48x64xf32>
        %logistic3A_569 = arith.divf %logistic3A_567, %logistic3A_568 : vector<32x48x64xf32>
        %mul3A_570 = arith.mulf %add3A_563, %logistic3A_569 : vector<32x48x64xf32>
        %dot_general3A_571 = arith.constant dense<0.000000e+00> : vector<32x48x64xf32>
        %dot_general3A_572 = tpu.matmul %mul3A_570, %get3A_356, %dot_general3A_571 {dimension_numbers = #tpu.dot_dimension_numbers<[2], [0], [0, 1], [1], [0, 0, 0, 1, 1, 1], [], []>, transpose_lhs_hint = false} : vector<32x48x64xf32>, vector<64x64xf32>, vector<32x48x64xf32> -> vector<32x48x64xf32>
        %broadcast_in_dim3A_573 = vector.shape_cast %get3A_358 : vector<64xf32> to vector<1x1x64xf32>
        %add3A_574 = vector.broadcast %broadcast_in_dim3A_573 : vector<1x1x64xf32> to vector<32x48x64xf32>
        %add3A_575 = arith.addf %dot_general3A_572, %add3A_574 : vector<32x48x64xf32>
        %logistic3A_576 = arith.negf %add3A_575 : vector<32x48x64xf32>
        %logistic3A_577 = math.exp %logistic3A_576 : vector<32x48x64xf32>
        %logistic3A_578 = arith.constant 1.000000e+00 : f32
        %logistic3A_579 = vector.broadcast %logistic3A_578 : f32 to vector<32x48x64xf32>
        %logistic3A_580 = arith.addf %logistic3A_579, %logistic3A_577 : vector<32x48x64xf32>
        %logistic3A_581 = arith.divf %logistic3A_579, %logistic3A_580 : vector<32x48x64xf32>
        %mul3A_582 = arith.mulf %add3A_575, %logistic3A_581 : vector<32x48x64xf32>
        %broadcast_in_dim3A_583 = vector.shape_cast %get3A_521 : vector<32x1xi32> to vector<32x1x1xi32>
        %broadcast_in_dim3A_584 = vector.shape_cast %get3A_558 : vector<48x1xi32> to vector<1x48x1xi32>
        %eq3A_585 = vector.broadcast %broadcast_in_dim3A_583 : vector<32x1x1xi32> to vector<32x48x1xi32>
        %eq3A_586 = vector.broadcast %broadcast_in_dim3A_584 : vector<1x48x1xi32> to vector<32x48x1xi32>
        %eq3A_587 = arith.cmpi eq, %eq3A_585, %eq3A_586 : vector<32x48x1xi32>
        %jit3A = arith.constant 0.000000e+00 : f32
        %broadcast_in_dim3A_588 = vector.shape_cast %eq3A_587 : vector<32x48x1xi1> to vector<32x48x1xi1>
        %broadcast_in_dim3A_589 = vector.broadcast %broadcast_in_dim3A_588 : vector<32x48x1xi1> to vector<32x48x64xi1>
        %broadcast_in_dim3A_590 = vector.broadcast %jit3A : f32 to vector<32x48x64xf32>
        %select_n3A = arith.select %broadcast_in_dim3A_589, %mul3A_582, %broadcast_in_dim3A_590 : vector<32x48x64xi1>, vector<32x48x64xf32>
        %reduce_sum3A_591 = arith.constant dense<0.000000e+00> : vector<32x64xf32>
        %reduce_sum3A_592 = vector.multi_reduction <add>, %select_n3A, %reduce_sum3A_591 [1] : vector<32x48x64xf32> to vector<32x64xf32>
        %add3A_593 = arith.addf %while3A_546, %reduce_sum3A_592 : vector<32x64xf32>
        scf.yield %add3A_593 : vector<32x64xf32>
      }
      %mul3A_540 = arith.constant 32 : i32
      %mul3A_541 = arith.muli %scan3A_511, %mul3A_540 : i32
      %swap3A_542 = arith.index_cast %mul3A_541 : i32 to index
      %swap3A_543 = arith.constant 0 : index
      %swap3A_544 = vector.load %arg60[%swap3A_542, %swap3A_543] : memref<4096x64xf32, #tpu.memory_space<vmem>>, vector<32x64xf32>
      tpu.vector_store %arg60[%swap3A_542, %swap3A_543], %while3A_539 {strides = array<i32>} : memref<4096x64xf32, #tpu.memory_space<vmem>>, vector<32x64xf32>,
    }
    %scan3A_396 = arith.constant 128 : i32
    %get3A_397 = arith.constant 0 : index
    %get3A_398 = arith.constant 0 : index
    %get3A_399 = vector.load %arg57[%get3A_397, %get3A_398] : memref<4096x64xf32, #tpu.memory_space<vmem>>, vector<4096x64xf32>
    %slice3A_400 = vector.extract_strided_slice %get3A_361 {offsets = [0, 0], sizes = [64, 64], strides = [1, 1]} : vector<128x64xf32> to vector<64x64xf32>
    %dot_general3A_401 = arith.constant dense<0.000000e+00> : vector<4096x64xf32>
    %dot_general3A_402 = tpu.matmul %get3A_399, %slice3A_400, %dot_general3A_401 {dimension_numbers = #tpu.dot_dimension_numbers<[1], [0], [0], [1], [0, 0, 1, 1], [], []>, transpose_lhs_hint = false} : vector<4096x64xf32>, vector<64x64xf32>, vector<4096x64xf32> -> vector<4096x64xf32>
    %get3A_403 = arith.constant 0 : index
    %get3A_404 = arith.constant 0 : index
    %get3A_405 = vector.load %arg60[%get3A_403, %get3A_404] : memref<4096x64xf32, #tpu.memory_space<vmem>>, vector<4096x64xf32>
    %mul3A_406 = arith.constant 0.00999999977 : f32
    %mul3A_407 = vector.broadcast %mul3A_406 : f32 to vector<4096x64xf32>
    %mul3A_408 = arith.mulf %get3A_405, %mul3A_407 : vector<4096x64xf32>
    %slice3A_409 = vector.extract_strided_slice %get3A_361 {offsets = [64, 0], sizes = [64, 64], strides = [1, 1]} : vector<128x64xf32> to vector<64x64xf32>
    %dot_general3A_410 = arith.constant dense<0.000000e+00> : vector<4096x64xf32>
    %dot_general3A_411 = tpu.matmul %mul3A_408, %slice3A_409, %dot_general3A_410 {dimension_numbers = #tpu.dot_dimension_numbers<[1], [0], [0], [1], [0, 0, 1, 1], [], []>, transpose_lhs_hint = false} : vector<4096x64xf32>, vector<64x64xf32>, vector<4096x64xf32> -> vector<4096x64xf32>
    %add3A_412 = arith.addf %dot_general3A_402, %dot_general3A_411 : vector<4096x64xf32>
    %broadcast_in_dim3A_413 = vector.shape_cast %get3A_363 : vector<64xf32> to vector<1x64xf32>
    %add3A_414 = vector.broadcast %broadcast_in_dim3A_413 : vector<1x64xf32> to vector<4096x64xf32>
    %add3A_415 = arith.addf %add3A_412, %add3A_414 : vector<4096x64xf32>
    %logistic3A_416 = arith.negf %add3A_415 : vector<4096x64xf32>
    %logistic3A_417 = math.exp %logistic3A_416 : vector<4096x64xf32>
    %logistic3A_418 = arith.constant 1.000000e+00 : f32
    %logistic3A_419 = vector.broadcast %logistic3A_418 : f32 to vector<4096x64xf32>
    %logistic3A_420 = arith.addf %logistic3A_419, %logistic3A_417 : vector<4096x64xf32>
    %logistic3A_421 = arith.divf %logistic3A_419, %logistic3A_420 : vector<4096x64xf32>
    %mul3A_422 = arith.mulf %add3A_415, %logistic3A_421 : vector<4096x64xf32>
    %dot_general3A_423 = arith.constant dense<0.000000e+00> : vector<4096x64xf32>
    %dot_general3A_424 = tpu.matmul %mul3A_422, %get3A_366, %dot_general3A_423 {dimension_numbers = #tpu.dot_dimension_numbers<[1], [0], [0], [1], [0, 0, 1, 1], [], []>, transpose_lhs_hint = false} : vector<4096x64xf32>, vector<64x64xf32>, vector<4096x64xf32> -> vector<4096x64xf32>
    %broadcast_in_dim3A_425 = vector.shape_cast %get3A_368 : vector<64xf32> to vector<1x64xf32>
    %add3A_426 = vector.broadcast %broadcast_in_dim3A_425 : vector<1x64xf32> to vector<4096x64xf32>
    %add3A_427 = arith.addf %dot_general3A_424, %add3A_426 : vector<4096x64xf32>
    %add3A_428 = arith.addf %get3A_399, %add3A_427 : vector<4096x64xf32>
    %swap3A_429 = arith.constant 0 : index
    %swap3A_430 = arith.constant 0 : index
    %swap3A_431 = vector.load %arg57[%swap3A_429, %swap3A_430] : memref<4096x64xf32, #tpu.memory_space<vmem>>, vector<4096x64xf32>
    tpu.vector_store %arg57[%swap3A_429, %swap3A_430], %add3A_428 {strides = array<i32>} : memref<4096x64xf32, #tpu.memory_space<vmem>>, vector<4096x64xf32>,
    %get3A_432 = arith.constant 0 : index
    %get3A_433 = arith.constant 0 : index
    %get3A_434 = vector.load %arg57[%get3A_432, %get3A_433] : memref<4096x64xf32, #tpu.memory_space<vmem>>, vector<4096x64xf32>
    %get3A_435 = arith.constant 0 : index
    %get3A_436 = arith.constant 0 : index
    %get3A_437 = vector.load %arg47[%get3A_435, %get3A_436] : memref<64x20xf32, #tpu.memory_space<vmem>>, vector<64x20xf32>
    %dot_general3A_438 = arith.constant dense<0.000000e+00> : vector<4096x20xf32>
    %dot_general3A_439 = tpu.matmul %get3A_434, %get3A_437, %dot_general3A_438 {dimension_numbers = #tpu.dot_dimension_numbers<[1], [0], [0], [1], [0, 0, 1, 1], [], []>, transpose_lhs_hint = false} : vector<4096x64xf32>, vector<64x20xf32>, vector<4096x20xf32> -> vector<4096x20xf32>
    %get3A_440 = arith.constant 0 : index
    %get3A_441 = vector.load %arg48[%get3A_440] : memref<20xf32, #tpu.memory_space<vmem>>, vector<20xf32>
    %broadcast_in_dim3A_442 = vector.shape_cast %get3A_441 : vector<20xf32> to vector<1x20xf32>
    %add3A_443 = vector.broadcast %broadcast_in_dim3A_442 : vector<1x20xf32> to vector<4096x20xf32>
    %add3A_444 = arith.addf %dot_general3A_439, %add3A_443 : vector<4096x20xf32>
    %slice3A_445 = vector.extract_strided_slice %add3A_444 {offsets = [0, 0], sizes = [4096, 3], strides = [1, 1]} : vector<4096x20xf32> to vector<4096x3xf32>
    %slice3A_446 = vector.extract_strided_slice %add3A_444 {offsets = [0, 3], sizes = [4096, 16], strides = [1, 1]} : vector<4096x20xf32> to vector<4096x16xf32>
    %iota3A = tpu.iota {dimensions = array<i32: 1>} : vector<4096x32xi32>
    %get3A_447 = arith.constant 0 : index
    %get3A_448 = arith.constant 0 : index
    %get3A_449 = vector.load %arg3[%get3A_447, %get3A_448] : memref<4144x1xi32, #tpu.memory_space<vmem>>, vector<4096x1xi32>
    %eq3A = vector.broadcast %get3A_449 : vector<4096x1xi32> to vector<4096x32xi32>
    %eq3A_450 = arith.cmpi eq, %eq3A, %iota3A : vector<4096x32xi32>
    %convert_element_type3A = arith.extui %eq3A_450 : vector<4096x32xi1> to vector<4096x32xi32>
    %convert_element_type3A_451 = arith.sitofp %convert_element_type3A : vector<4096x32xi32> to vector<4096x32xf32>
    %dot_general3A_452 = arith.constant dense<0.000000e+00> : vector<32x3xf32>
    %dot_general3A_453 = tpu.matmul %convert_element_type3A_451, %slice3A_445, %dot_general3A_452 {dimension_numbers = #tpu.dot_dimension_numbers<[0], [0], [1], [1], [0, 1, 1, 1], [], []>, transpose_lhs_hint = false} : vector<4096x32xf32>, vector<4096x3xf32>, vector<32x3xf32> -> vector<32x3xf32>
    %reduce_sum3A = arith.constant dense<0.000000e+00> : vector<32xf32>
    %reduce_sum3A_454 = vector.multi_reduction <add>, %convert_element_type3A_451, %reduce_sum3A [0] : vector<4096x32xf32> to vector<32xf32>
    %broadcast_in_dim3A_455 = vector.shape_cast %reduce_sum3A_454 : vector<32xf32> to vector<1x32xf32>
    %transpose3A = tpu.transpose %broadcast_in_dim3A_455, [1, 0] : vector<1x32xf32> -> vector<32x1xf32>
    %max3A = arith.constant 1.000000e+00 : f32
    %max3A_456 = vector.broadcast %max3A : f32 to vector<32x1xf32>
    %max3A_457 = arith.maximumf %transpose3A, %max3A_456 : vector<32x1xf32>
    %div3A = vector.broadcast %max3A_457 : vector<32x1xf32> to vector<32x3xf32>
    %div3A_458 = arith.divf %dot_general3A_453, %div3A : vector<32x3xf32>
    %dot_general3A_459 = arith.constant dense<0.000000e+00> : vector<4096x3xf32>
    %dot_general3A_460 = tpu.matmul %convert_element_type3A_451, %div3A_458, %dot_general3A_459 {dimension_numbers = #tpu.dot_dimension_numbers<[1], [0], [0], [1], [0, 0, 1, 1], [], []>, transpose_lhs_hint = false} : vector<4096x32xf32>, vector<32x3xf32>, vector<4096x3xf32> -> vector<4096x3xf32>
    %sub3A = arith.subf %slice3A_445, %dot_general3A_460 : vector<4096x3xf32>
    %get3A_461 = arith.constant 0 : index
    %get3A_462 = arith.constant 0 : index
    %get3A_463 = vector.load %arg49[%get3A_461, %get3A_462] : memref<16x32xf32, #tpu.memory_space<vmem>>, vector<16x32xf32>
    %dot_general3A_464 = arith.constant dense<0.000000e+00> : vector<4096x32xf32>
    %dot_general3A_465 = tpu.matmul %slice3A_446, %get3A_463, %dot_general3A_464 {dimension_numbers = #tpu.dot_dimension_numbers<[1], [0], [0], [1], [0, 0, 1, 1], [], []>, transpose_lhs_hint = false} : vector<4096x16xf32>, vector<16x32xf32>, vector<4096x32xf32> -> vector<4096x32xf32>
    %get3A_466 = arith.constant 0 : index
    %get3A_467 = vector.load %arg50[%get3A_466] : memref<32xf32, #tpu.memory_space<vmem>>, vector<32xf32>
    %broadcast_in_dim3A_468 = vector.shape_cast %get3A_467 : vector<32xf32> to vector<1x32xf32>
    %add3A_469 = vector.broadcast %broadcast_in_dim3A_468 : vector<1x32xf32> to vector<4096x32xf32>
    %add3A_470 = arith.addf %dot_general3A_465, %add3A_469 : vector<4096x32xf32>
    %logistic3A_471 = arith.negf %add3A_470 : vector<4096x32xf32>
    %logistic3A_472 = math.exp %logistic3A_471 : vector<4096x32xf32>
    %logistic3A_473 = arith.constant 1.000000e+00 : f32
    %logistic3A_474 = vector.broadcast %logistic3A_473 : f32 to vector<4096x32xf32>
    %logistic3A_475 = arith.addf %logistic3A_474, %logistic3A_472 : vector<4096x32xf32>
    %logistic3A_476 = arith.divf %logistic3A_474, %logistic3A_475 : vector<4096x32xf32>
    %mul3A_477 = arith.mulf %add3A_470, %logistic3A_476 : vector<4096x32xf32>
    %get3A_478 = arith.constant 0 : index
    %get3A_479 = arith.constant 0 : index
    %get3A_480 = vector.load %arg51[%get3A_478, %get3A_479] : memref<32x16xf32, #tpu.memory_space<vmem>>, vector<32x16xf32>
    %dot_general3A_481 = arith.constant dense<0.000000e+00> : vector<4096x16xf32>
    %dot_general3A_482 = tpu.matmul %mul3A_477, %get3A_480, %dot_general3A_481 {dimension_numbers = #tpu.dot_dimension_numbers<[1], [0], [0], [1], [0, 0, 1, 1], [], []>, transpose_lhs_hint = false} : vector<4096x32xf32>, vector<32x16xf32>, vector<4096x16xf32> -> vector<4096x16xf32>
    %get3A_483 = arith.constant 0 : index
    %get3A_484 = vector.load %arg52[%get3A_483] : memref<16xf32, #tpu.memory_space<vmem>>, vector<16xf32>
    %broadcast_in_dim3A_485 = vector.shape_cast %get3A_484 : vector<16xf32> to vector<1x16xf32>
    %add3A_486 = vector.broadcast %broadcast_in_dim3A_485 : vector<1x16xf32> to vector<4096x16xf32>
    %add3A_487 = arith.addf %dot_general3A_482, %add3A_486 : vector<4096x16xf32>
    %logistic3A_488 = arith.negf %add3A_487 : vector<4096x16xf32>
    %logistic3A_489 = math.exp %logistic3A_488 : vector<4096x16xf32>
    %logistic3A_490 = arith.constant 1.000000e+00 : f32
    %logistic3A_491 = vector.broadcast %logistic3A_490 : f32 to vector<4096x16xf32>
    %logistic3A_492 = arith.addf %logistic3A_491, %logistic3A_489 : vector<4096x16xf32>
    %logistic3A_493 = arith.divf %logistic3A_491, %logistic3A_492 : vector<4096x16xf32>
    %mul3A_494 = arith.mulf %add3A_487, %logistic3A_493 : vector<4096x16xf32>
    %get3A_495 = arith.constant 0 : index
    %get3A_496 = arith.constant 0 : index
    %get3A_497 = vector.load %arg53[%get3A_495, %get3A_496] : memref<16x3xf32, #tpu.memory_space<vmem>>, vector<16x3xf32>
    %dot_general3A_498 = arith.constant dense<0.000000e+00> : vector<4096x3xf32>
    %dot_general3A_499 = tpu.matmul %mul3A_494, %get3A_497, %dot_general3A_498 {dimension_numbers = #tpu.dot_dimension_numbers<[1], [0], [0], [1], [0, 0, 1, 1], [], []>, transpose_lhs_hint = false} : vector<4096x16xf32>, vector<16x3xf32>, vector<4096x3xf32> -> vector<4096x3xf32>
    %get3A_500 = arith.constant 0 : index
    %get3A_501 = vector.load %arg54[%get3A_500] : memref<3xf32, #tpu.memory_space<vmem>>, vector<3xf32>
    %broadcast_in_dim3A_502 = vector.shape_cast %get3A_501 : vector<3xf32> to vector<1x3xf32>
    %add3A_503 = vector.broadcast %broadcast_in_dim3A_502 : vector<1x3xf32> to vector<4096x3xf32>
    %add3A_504 = arith.addf %dot_general3A_499, %add3A_503 : vector<4096x3xf32>
    %add3A_505 = arith.addf %sub3A, %add3A_504 : vector<4096x3xf32>
    %broadcast_in_dim3A_506 = arith.constant 0.000000e+00 : f32
    %broadcast_in_dim3A_507 = vector.broadcast %broadcast_in_dim3A_506 : f32 to vector<4096x125xf32>
    %concatenate3A = tpu.concatenate %add3A_505, %broadcast_in_dim3A_507 in 1 : vector<4096x3xf32>, vector<4096x125xf32> -> vector<4096x128xf32>
    %swap3A_508 = arith.constant 0 : index
    %swap3A_509 = arith.constant 0 : index
    %swap3A_510 = vector.load %arg55[%swap3A_508, %swap3A_509] : memref<4096x128xf32, #tpu.memory_space<vmem>>, vector<4096x128xf32>
    tpu.vector_store %arg55[%swap3A_508, %swap3A_509], %concatenate3A {strides = array<i32>} : memref<4096x128xf32, #tpu.memory_space<vmem>>, vector<4096x128xf32>,
    return
  }
}

</mosaic_0001>

<sc_bundles>
// kernel: kernel.4.cloned.1.call-start
scs
__scs_entry_jumppad:
0x0: {  	(pc) =	sbr.rel $0x88, $3  }
0x1: {  	(tag) =	ssettag $0x0;
	lr =	simm.s32 $0x1  }
0x2: {  	[smem:$0x3F6A] =	sst lr;
	_ =	strace $0xD0000000  }
0x3: {  	_ = 	snop  }
0x4: {  	_ = 	snop  }
0x5: {  	_ = 	snop  }
0x6: {  	_ = 	snop  }
0x7: {  	_ = 	snop  }
__scs_overlays_trampoline_lowered:
0x8: {  	[smem:$0x3F79] =	sst s0  }
0x9: {  	[smem:$0x3F7A] =	sst s1  }
0xa: {  	[smem:$0x3F7B] =	sst s2  }
0xb: {  	[smem:$0x3F7C] =	sst s3  }
0xc: {  	[smem:$0x3F7D] =	sst s4  }
0xd: {  	[smem:$0x3F7E] =	sst s5  }
0xe: {  	[smem:$0x3F7F] =	sst s6  }
0xf: {  	[smem:$0x3F80] =	sst s7  }
0x10: {  	[smem:$0x3F81] =	sst s8  }
0x11: {  	[smem:$0x3F82] =	sst s9;
	s0 =	simm.s32 @!p0 $0x0  }
0x12: {  	s1 =	sld [smem:$0x3F68];
	s0 =	simm.s32 @p0 $0x1  }
0x13: {  	[smem:$0x3F83] =	sst s0;
	s0 =	simm.s32 @!p1 $0x0  }
0x14: {  	s2 =	sld [smem:$0x3F67];
	s0 =	simm.s32 @p1 $0x1  }
0x15: {  	[smem:$0x3F84] =	sst s0;
	s0 =	simm.s32 @!p2 $0x0  }
0x16: {  	s3 =	sld [smem:$0x3FDB];
	s0 =	simm.s32 @p2 $0x1  }
0x17: {  	s4 =	simm.s32 $0x1BF5;
	[smem:$0x3F86] =	sst s0  }
0x18: {  	s0 =	sld [smem:$0x3F69];
	_ =	swait.ge [sflag:s4], $0x0  }
0x19: {  	s7 =	sld [smem:$0x3F6A]  }
0x1a: {  	s8 =	sadd.s32 $0xFFFFE003, lr  }
0x1b: {  	s9 =	sadd.s32 $0xFFFFFEF7, lr;
	s5 =	simm.s32 $0xFFFFFFFF;
	p2 =	slt.u32 s8, $0xFFFFF086  }
0x1c: {  	p1 =	slt.u32 s9, $0xF7A;
	s5 =	simm.s32 @!p2 $0x0  }
0x1d: {  	s5 =	simm.s32 @p1 $0x1;
	p0 =	seq.s32 s7, s2  }
0x1e: {  	s7 =	smul.u32 @!p0 $0xF7A, s2;
	p2 =	seq.s32 @!p0 s5, $0x0  }
0x1f: {  	s9 =	smul.u32 $0xF7A, s1;
	s8 =	simm.s32 @!p0 $0x1BF5;
	p2 =	por !p2, p0  }
0x20: {  	[sflag:s8] =	ssyncset.s32 @!p0 $0xFFFFF086;
	s6 =	sadd.s32 @!p0 s3, s7;
	s7 =	simm.s32 @!p0 $0x108  }
0x21: {  	s3 =	sadd.s32 s3, s9;
	s6 =	sadd.s32 @!p0 $0x88, s6;
	s7 =	simm.s32 @p2 $0x1082  }
0x22: {  	[simem:s7], [sflag:s8] =	dma.local @!p0 [hbm:s6], $0xF7A  }
0x23: {  	s9 =	sor.u32 $0xD0000000, s2;
	s6 =	simm.s32 $0x108;
	_ =	swait.ge @!p0 [sflag:s8], $0x0  }
0x24: {  	s3 =	sadd.s32 $0x88, s3;
	s6 =	simm.s32 @!p1 $0x1082;
	[sflag:s4] =	ssyncset.s32 $0xFFFFF086  }
0x25: {  	[simem:s6], [sflag:s4] =	dma.local [hbm:s3], $0xF7A  }
0x26: {  	[smem:$0x3F6A] =	sst s1;
	(tag) =	ssettag s2;
	_ =	strace s9  }
0x27: {  	s1 =	sld [smem:$0x3F7A]  }
0x28: {  	s2 =	sld [smem:$0x3F7B]  }
0x29: {  	s4 =	sld [smem:$0x3F7D]  }
0x2a: {  	p0 =	seq.s32 s5, $0x0;
	s5 =	sld [smem:$0x3F7E]  }
0x2b: {  	s6 =	sld [smem:$0x3F7F]  }
0x2c: {  	s7 =	sld [smem:$0x3F80]  }
0x2d: {  	s3 =	simm.s32 $0x108;
	s8 =	sld [smem:$0x3F81]  }
0x2e: {  	s3 =	simm.s32 @!p0 $0x1082;
	s9 =	sld [smem:$0x3F82]  }
0x2f: {  	lr =	sadd.s32 s0, s3;
	s0 =	sld [smem:$0x3F79]  }
0x30: {  	s3 =	sld [smem:$0x3F7C]  }
0x31: {  	[smem:$0x3F85] =	sst s10  }
0x32: {  	s10 =	sld [smem:$0x3F83];
	_ =	sdelay $0x3  }
0x33: {  	p0 =	seq.s32 s10, $0x1;
	s10 =	sld [smem:$0x3F85];
	_ =	sdelay $0x3  }
0x34: {  	[smem:$0x3F85] =	sst s10  }
0x35: {  	s10 =	sld [smem:$0x3F84];
	_ =	sdelay $0x3  }
0x36: {  	p1 =	seq.s32 s10, $0x1;
	s10 =	sld [smem:$0x3F85];
	_ =	sdelay $0x3  }
0x37: {  	[smem:$0x3F85] =	sst s10  }
0x38: {  	s10 =	sld [smem:$0x3F86]  }
0x39: {  	_ = 	snop;
	(pc) =	sbr.ind lr, $3  }
0x3a: {  	_ = 	snop  }
0x3b: {  	_ = 	snop  }
0x3c: {  	p2 =	seq.s32 s10, $0x1;
	s10 =	sld [smem:$0x3F85]  }
0x3d: {  	_ =	shalt  }
0x3e: {  	_ =	shalt  }
0x3f: {  	_ =	shalt  }
0x40: {  	_ =	shalt  }
0x41: {  	_ =	shalt  }
0x42: {  	_ =	shalt  }
0x43: {  	_ =	shalt  }
0x44: {  	_ =	shalt  }
0x45: {  	_ =	shalt  }
0x46: {  	_ =	shalt  }
0x47: {  	_ =	shalt  }
0x48: {  	_ =	shalt  }
0x49: {  	_ =	shalt  }
0x4a: {  	_ =	shalt  }
0x4b: {  	_ =	shalt  }
0x4c: {  	_ =	shalt  }
0x4d: {  	_ =	shalt  }
0x4e: {  	_ =	shalt  }
0x4f: {  	_ =	shalt  }
0x50: {  	_ =	shalt  }
0x51: {  	_ =	shalt  }
0x52: {  	_ =	shalt  }
0x53: {  	_ =	shalt  }
0x54: {  	_ =	shalt  }
0x55: {  	_ =	shalt  }
0x56: {  	_ =	shalt  }
0x57: {  	_ =	shalt  }
0x58: {  	_ =	shalt  }
0x59: {  	_ =	shalt  }
0x5a: {  	_ =	shalt  }
0x5b: {  	_ =	shalt  }
0x5c: {  	_ =	shalt  }
0x5d: {  	_ =	shalt  }
0x5e: {  	_ =	shalt  }
0x5f: {  	_ =	shalt  }
0x60: {  	_ =	shalt  }
0x61: {  	_ =	shalt  }
0x62: {  	_ =	shalt  }
0x63: {  	_ =	shalt  }
0x64: {  	_ =	shalt  }
0x65: {  	_ =	shalt  }
0x66: {  	_ =	shalt  }
0x67: {  	_ =	shalt  }
0x68: {  	_ =	shalt  }
0x69: {  	_ =	shalt  }
0x6a: {  	_ =	shalt  }
0x6b: {  	_ =	shalt  }
0x6c: {  	_ =	shalt  }
0x6d: {  	_ =	shalt  }
0x6e: {  	_ =	shalt  }
0x6f: {  	_ =	shalt  }
0x70: {  	_ =	shalt  }
0x71: {  	_ =	shalt  }
0x72: {  	_ =	shalt  }
0x73: {  	_ =	shalt  }
0x74: {  	_ =	shalt  }
0x75: {  	_ =	shalt  }
0x76: {  	_ =	shalt  }
0x77: {  	_ =	shalt  }
0x78: {  	_ =	shalt  }
0x79: {  	_ =	shalt  }
0x7a: {  	_ =	shalt  }
0x7b: {  	_ =	shalt  }
0x7c: {  	_ =	shalt  }
0x7d: {  	_ =	shalt  }
0x7e: {  	_ =	shalt  }
0x7f: {  	_ =	shalt  }
0x80: {  	_ =	shalt  }
0x81: {  	_ =	shalt  }
0x82: {  	_ =	shalt  }
0x83: {  	_ =	shalt  }
0x84: {  	_ =	shalt  }
0x85: {  	_ =	shalt  }
0x86: {  	_ =	shalt  }
0x87: {  	_ =	shalt  }
.Lfunc_end0:
.L_simem_size_0:
called_computation_lowered:
.L_overlay_start_0:
0x88: {  	s2 =	sld [smem:$0x3FD9]  }
0x89: {  	s3 =	sld [smem:$0x3FFE];
	_ =	sdelay $0x1  }
0x8a: {  	s1 =	srdreg.scid  }
0x8b: {  	s0 =	sand.u32 $0x1, s1  }
0x8c: {  	s17 =	sshll.u32 s0, $0xA;
	s2 =	sadd.s32 s3, s2  }
0x8d: {  	s2 =	sadd.s32 s2, s17  }
0x8e: {  	[smem:$0x3F91] =	sst s2  }
0x8f: {  	_ = 	snop  }
0x90: {  	s2 =	sld [smem:$0x3FD0];
	(tm) =	ssettm $0x1  }
0x91: {  	s18 =	sld [smem:$0x3FFB];
	_ =	sdelay $0x3  }
0x92: {  	_ =	strace s18  }
0x93: {  	s3 =	sld [smem:$0x3FFC];
	_ =	sdelay $0x3  }
0x94: {  	_ =	strace s3  }
0x95: {  	s3 =	sld [smem:$0x3FFD];
	_ =	sdelay $0x3  }
0x96: {  	_ =	strace s3  }
0x97: {  	_ =	strace $0x8FFFFFFF  }
0x98: {  	s19 =	sld [smem:$0x3FDB];
	_ =	sdelay $0x1  }
0x99: {  	s4 =	simm.s32 $_scs_section_size  }
0x9a: {  	s5 =	simm.s32 $_size__tile_overlayer_lowered;
	s6 =	simm.s32 $_tile_overlayer_lowered  }
0x9b: {  	s22 =	simm.s32 $0x1BFF;
	s21 =	sshll.u32 s6, $0x1;
	s3 =	sadd.s32 s4, s19  }
0x9c: {  	s7 =	simm.s32 $0x0;
	s20 =	sshll.u32 s5, $0x1;
	s5 =	sadd.s32 s21, s3  }
0x9d: {  	[timem:s7], [sflag:s22] =	dma.local [hbm:s5], s20  }
0x9e: {  	_ =	swait.ge [sflag:s22], s20  }
0x9f: {  	s4 =	ssub.s32 $0x0, s20;
	[sflag:s22] =	ssyncset.done $0x0  }
0xa0: {  	[sflag:s22] =	ssyncadd.s32 s4;
	_ =	sdelay $0x1  }
0xa1: {  	s23 =	simm.s32 $0x1B8B  }
0xa2: {  	_ =	swait.ge [sflag:s23], $0x1  }
0xa3: {  	[sflag:s23] =	ssyncset.done $0x0  }
0xa4: {  	s25 =	simm.s32 $0x1B8E;
	s24 =	sld [smem:$0x3FFE];
	[sflag:s23] =	ssyncadd.s32 $0xFFFFFFFF  }
0xa5: {  	s26 =	simm.s32 $execute0_lowered;
	[smem:$0x3FD2] =	sst s25  }
0xa6: {  	s5 =	sshll.u32 s26, $0x1;
	_ =	strace $0x80000046;
	[dreg:$0x1] =	wrdreg $0xFFFFFFFF  }
0xa7: {  	s28 =	simm.s32 $_size_execute0_lowered;
	s3 =	sadd.s32 s3, s5;
	[dreg:$0x0] =	wrdreg $0x0  }
0xa8: {  	s5 =	sshll.u32 s28, $0x1;
	[dreg:$0x2] =	wrdreg s3  }
0xa9: {  	[dreg:$0x3] =	wrdreg s5  }
0xaa: {  	[dreg:$0x4] =	wrdreg $0xC0  }
0xab: {  	_ =	task [dreg:s7], $0x5FFFF  }
0xac: {  	[dreg:$0x1] =	wrdreg $0xFFFFFFFF  }
0xad: {  	[dreg:$0x0] =	wrdreg $0x60  }
0xae: {  	[dreg:$0x2] =	wrdreg s24  }
0xaf: {  	[dreg:$0x3] =	wrdreg s2  }
0xb0: {  	[dreg:$0x4] =	wrdreg $0x9  }
0xb1: {  	_ =	task.clear_ibuf [dreg:s7], $0x5FFFF;
	_ =	strace $0x90000046  }
0xb2: {  	s29 =	simm.s32 $0x9;
	_ =	strace $0x80000048  }
0xb3: {  	_ =	swait.ge [sflag:s29], $0x1  }
0xb4: {  	[sflag:s29] =	ssyncadd.s32 $0xFFFFFFFF  }
0xb5: {  	_ =	strace $0x90000048  }
0xb6: {  	_ =	sfence  }
0xb7: {  	s30 =	sld [smem:$0x0];
	_ =	sdelay $0x2  }
0xb8: {  	s31 =	sshll.u32 s1, $0xD;
	s1 =	sshrl.u32 s1, $0x2  }
0xb9: {  	s3 =	sand.u32 $0x4000, s31;
	s1 =	sadd.s32 s1, s30  }
0xba: {  	s0 =	sor.u32 s3, s0;
	s1 =	sshll.u32 s1, $0x11  }
0xbb: {  	s0 =	sor.u32 s1, s0  }
0xbc: {  	s0 =	sadd.s32 $0x8F2B, s0  }
0xbd: {  	[sflag:s0] =	ssyncadd.remote.s32 $0x1  }
0xbe: {  	_ =	sfence.sel $0xFFFF  }
0xbf: {  	[dreg:$0x0] =	wrdreg $0xFFFFFFFF;
	(pc) =	sbr.abs _section_cstart, $3  }
0xc0: {  	[dreg:$0x1] =	wrdreg $0xFFFFFFFF  }
0xc1: {  	_ =	task.clear_ibuf [dreg:s7], $0x2FFFF;
	_ =	strace $0x9FFFFFFF  }
0xc2: {  	(tm) =	ssettm $0x7FFFFFFF  }
0xc3: {  	_ =	shalt  }
tec
execute0_lowered:
.L_overlay_start_1:
0x0: {  	(tag) =	ssettag $0x1  }
0x1: {  	s1 =	srdreg.scid;
	s9 =	rddreg [dreg:$0x0]  }
0x2: {  	s0 =	stileid.u32;
	s3 =	rddreg [dreg:$0x1]  }
0x3: {  	s2 =	simm.s32 $0x0;
	s7 =	simm.s32 $0x80;
	s6 =	sand.u32 $0x1, s1  }
0x4: {  	s4 =	sshll.u32 s0, $0x7;
	s1 =	rddreg [dreg:$0x2];
	s5 =	sshll.u32 s6, $0x6  }
0x5: {  	s8 =	simm.s32 $0x1;
	[smem:$0x7FF] =	sst s2;
	s10 =	sor.u32 s5, s4  }
0x6: {  	_ =	strace $0x80000047;
	s11 =	ssub.s32 $0x2, s6;
	s4 =	sshrl.u32 s10, $0x3  }
0x7: {  	s6 =	simm.s32 $0x40;
	s4 =	sadd.s32 s3, s4;
	s3 =	simm.s32 $0x2  }
0x8: {  	[tilespmem:s2], [sflag:$0x2] =	stream.linear.gather [hbm4b:s4+s2], $0x40, $0x38;
	[tilespmem:$0x2080] =	vst v63  }
0x9: {  	s5 =	sadd.s32 $0x4600, s9;
	s12 =	sshrl.u32 s11, $0x1;
	_ =	swait.ge [sflag:s3], $0x40  }
0xa: {  	s10 =	sshll.u32 s10, $0x4;
	s31 =	ssub.s32 s11, s12;
	[sflag:s3] =	ssyncset.done $0x0  }
0xb: {  	s9 =	sadd.s32 s10, s9;
	s10 =	smax.u32 s31, $0x1;
	[sflag:s3] =	ssyncadd.s32 $0xFFFFFFC0  }
0xc: {  	[tilespmem:s7], [sflag:$0x1] =	stream.indirect.gather [hbm4b:s5+s6], $0x80, s2, s6, $0xb8;
	[tilespmem:$0x2080] =	vst v63  }
0xd: {  	p0 =	sne.s32 s10, $0x1;
	_ =	swait.ge [sflag:s8], $0x2000  }
.Ltmp0:
0xe: {  	[sflag:s8] =	ssyncset.done $0x0;
	(pc) =	sbr.rel @!p0 .LBB2_2-.Ltmp0, $4  }
0xf: {  	s9 =	sadd.s32 $0x14600, s9;
	[sflag:s8] =	ssyncadd.s32 $0xFFFFE000  }
0x10: {  	[hbm4b:s9+s2] =	stream.linear.scatter [tilespmem:s7], [sflag:$0x2], $0x2000, $0x38;
	[tilespmem:$0x2080] =	vst v63  }
0x11: {  	_ =	swait.ge [sflag:s3], $0x2000  }
0x12: {  	s10 =	sadd.s32 $0xFFFFFFFF, s10;
	[sflag:s3] =	ssyncset.done $0x0  }
.LBB2_1:
0x13: {  	p0 =	sne.s32 s10, $0x1;
	s10 =	sadd.s32 $0xFFFFFFFF, s10;
	[sflag:s3] =	ssyncadd.s32 $0xFFFFE000  }
0x14: {  	[tilespmem:s2], [sflag:$0x2] =	stream.linear.gather [hbm4b:s4+s2], $0x40, $0x38;
	[tilespmem:$0x2080] =	vst v63  }
0x15: {  	_ =	swait.ge [sflag:s3], $0x40  }
0x16: {  	[sflag:s3] =	ssyncset.done $0x0  }
0x17: {  	[sflag:s3] =	ssyncadd.s32 $0xFFFFFFC0  }
0x18: {  	[tilespmem:s7], [sflag:$0x1] =	stream.indirect.gather [hbm4b:s5+s6], $0x80, s2, s6, $0xb8;
	[tilespmem:$0x2080] =	vst v63  }
0x19: {  	_ =	swait.ge [sflag:s8], $0x2000  }
.Ltmp1:
0x1a: {  	[sflag:s8] =	ssyncset.done $0x0;
	(pc) =	sbr.rel @p0 .LBB2_1-.Ltmp1, $4  }
0x1b: {  	[sflag:s8] =	ssyncadd.s32 $0xFFFFE000  }
0x1c: {  	[hbm4b:s9+s2] =	stream.linear.scatter [tilespmem:s7], [sflag:$0x2], $0x2000, $0x38;
	[tilespmem:$0x2080] =	vst v63  }
0x1d: {  	_ =	swait.ge [sflag:s3], $0x2000  }
0x1e: {  	[sflag:s3] =	ssyncset.done $0x0  }
.LBB2_2:
0x1f: {  	[sflag:s3] =	ssyncadd.s32 $0xFFFFE000  }
0x20: {  	_ =	sfence.sel $0x180000  }
0x21: {  	[bflag:$0x0] =	sbarrier.arrive $0xFFFF  }
0x22: {  	p0 =	sne.s32 s0, $0x0;
	_ =	strace $0x90000047  }
0x23: {  	s0 =	sadd.s32 @!p0 $0x100000, s1;
	[bflag:$0x2] =	sbarrier.arrive $0xFFFF  }
0x24: {  	[sflag:s0] =	ssyncadd.tile.s32 @!p0 $0x1;
	_ =	shalt  }
.Lfunc_end2:
_tile_overlayer_lowered:
.L_overlay_start_2:
0x25: {  	(tag) =	ssettag $0x2  }
0x26: {  	s0 =	rddreg [dreg:$0x0];
	s2 =	stileid.u32  }
0x27: {  	s1 =	rddreg [dreg:$0x1];
	p0 =	sne.s32 s2, $0x0  }
0x28: {  	s3 =	rddreg [dreg:$0x2];
	[bflag:$0x3] =	sbarrier.arrive $0xFFFF;
	s2 =	simm.s32 @!p0 $0x1C02  }
0x29: {  	[timem:s3], [sflag:s2] =	dma.local @!p0 [hbm:s0], s1  }
0x2a: {  	s0 =	simm.s32 @!p0 $0x2  }
0x2b: {  	_ =	swait.ge @!p0 [sflag:s0], s1  }
0x2c: {  	s1 =	ssub.s32 @!p0 $0x0, s1;
	[sflag:s0] =	ssyncset.done @!p0 $0x0  }
0x2d: {  	[sflag:s0] =	ssyncadd.s32 @!p0 s1  }
0x2e: {  	[bflag:$0x3] =	sbarrier.arrive $0xFFFF  }
0x2f: {  	_ =	shalt  }

</sc_bundles>
